<compile_context>
chip_gen: v7x
topology: tpu7x:2x2x1
jax: 0.10.2.dev20260603
libtpu: 0.0.44.dev20260713+nightly
codegen_flags: <defaults>
</compile_context>

<pallas_src>
import functools

import jax
import jax.numpy as jnp
from jax import lax
from jax.experimental import pallas as pl
from jax.experimental.pallas import tpu as pltpu
from jax.experimental.pallas import tpu_sc as plsc

VOCAB = 1000000
EMBED_DIM = 64
BATCH = 4096
HIST = 200
N = BATCH * HIST

_info = plsc.get_sparse_core_info()
NC = _info.num_cores
NS = _info.num_subcores
NW = NC * NS
PER_W = N // NW

IDX_W = 128
GROUPS = 4
CHUNK = IDX_W * GROUPS
STEPS = PER_W // CHUNK
PAIRS = STEPS // 2

_mesh = plsc.VectorSubcoreMesh(core_axis_name="c", subcore_axis_name="s")


@functools.partial(
    pl.kernel,
    mesh=_mesh,
    out_type=jax.ShapeDtypeStruct((N, EMBED_DIM), jnp.float32),
    scratch_types=[
        pltpu.VMEM((PER_W,), jnp.int32),
        pltpu.VMEM((CHUNK, EMBED_DIM), jnp.float32),
        pltpu.VMEM((CHUNK, EMBED_DIM), jnp.float32),
        pltpu.SemaphoreType.DMA,
        pltpu.SemaphoreType.DMA,
    ],
    compiler_params=pltpu.CompilerParams(use_tc_tiling_on_sc=False),
)
def _gather_kernel(idx_hbm, table_hbm, out_hbm, idx_v, rows0, rows1, sem0, sem1):
    wid = lax.axis_index("s") * NC + lax.axis_index("c")
    base = wid * PER_W

    pltpu.sync_copy(idx_hbm.at[pl.ds(base, PER_W)], idx_v)

    rows = (rows0, rows1)
    sems = (sem0, sem1)

    def fire(c, b):
        for g in range(GROUPS):
            pltpu.async_copy(
                table_hbm.at[idx_v.at[pl.ds(c * CHUNK + g * IDX_W, IDX_W)]],
                rows[b].at[pl.ds(g * IDX_W, IDX_W), :],
                sems[b],
            )

    def drain(c, b):
        for g in range(GROUPS):
            pltpu.make_async_copy(
                table_hbm.at[idx_v.at[pl.ds(c * CHUNK + g * IDX_W, IDX_W)]],
                rows[b].at[pl.ds(g * IDX_W, IDX_W), :],
                sems[b],
            ).wait()

    def write(c, b):
        pltpu.sync_copy(rows[b], out_hbm.at[pl.ds(base + c * CHUNK, CHUNK), :])

    fire(0, 0)

    def pair(j, carry):
        c0 = 2 * j
        fire(c0 + 1, 1)
        drain(c0, 0)
        write(c0, 0)

        @pl.when(j < PAIRS - 1)
        def _():
            fire(c0 + 2, 0)

        drain(c0 + 1, 1)
        write(c0 + 1, 1)
        return carry

    lax.fori_loop(0, PAIRS, pair, 0)


def kernel(x, table):
    idx = x.T.reshape(N).astype(jnp.int32)
    out = _gather_kernel(idx, table)
    return jnp.transpose(out.reshape(HIST, BATCH, EMBED_DIM), (1, 0, 2))

# --- scband reference (transcript-rebuilt; emitter-appended) ---
"""Pipeline reference for scband-embedding-40381282517476 (READ-ONLY COPY).

The authoritative reference and input builder live on the scoring server;
editing this copy changes nothing except your own understanding.
"""

import jax, jax.numpy as jnp
import numpy as np

VOCAB = 1000000
EMBED_DIM = 64
BATCH = 4096
HIST = 200

def setup_inputs(seed: int = 0) -> dict:
    key = jax.random.key(seed)
    k_idx, k_tab = jax.random.split(key)
    x = jax.random.randint(k_idx, (BATCH, HIST), 0, VOCAB, dtype=jnp.int64 if jax.config.jax_enable_x64 else jnp.int32)
    table = jax.random.normal(k_tab, (VOCAB, EMBED_DIM), dtype=jnp.float32)
    return {"x": x, "table": table}

def reference(x, table):
    # nn.Embedding lookup; dropout=0.0 is identity in eval/no-op
    out = jnp.take(table, x, axis=0)
    return out

if __name__ == "__main__":
    import jax
    _d = setup_inputs()
    print(jax.jit(kernel)(*tuple(_d.values())))

</pallas_src>

<mosaic_0001>
#map = affine_map<(d0, d1) -> (0)>
#map1 = affine_map<(d0, d1) -> (0, 0)>
module attributes {stable_mosaic.version = 14 : i64} {
  func.func @_gather_kernel(%arg0: i32, %arg1: i32, %arg2: memref<819200xi32, #tpu.memory_space<hbm>>, %arg3: memref<1000000x64xf32, #tpu.memory_space<hbm>>, %arg4: memref<819200x64xf32, #tpu.memory_space<hbm>>, %arg5: memref<25600xi32, #tpu.memory_space<vmem>>, %arg6: memref<512x64xf32, #tpu.memory_space<vmem>>, %arg7: memref<512x64xf32, #tpu.memory_space<vmem>>, %arg8: memref<!tpu.dma_semaphore, #tpu.memory_space<semaphore_mem>>, %arg9: memref<!tpu.dma_semaphore, #tpu.memory_space<semaphore_mem>>) attributes {dimension_semantics = [#tpu.dimension_semantics<core_parallel>, #tpu.dimension_semantics<subcore_parallel>], iteration_bounds = array<i64: 2, 16>, scalar_prefetch = 0 : i64, scratch_operands = 5 : i64, tpu.core_type = #tpu.core_type<sc_vector_subcore>, window_params = [{transform_indices = #map}, {transform_indices = #map1}, {transform_indices = #map1}]} {
    %mul3A = arith.constant 2 : i32
    %mul3A_0 = arith.muli %arg1, %mul3A : i32
    %add3A = arith.addi %mul3A_0, %arg0 : i32
    %mul3A_1 = arith.constant 25600 : i32
    %mul3A_2 = arith.muli %add3A, %mul3A_1 : i32
    "tpu.region"() ({
      %run_scoped3A = tpu.sem_alloc : memref<!tpu.dma_semaphore, #tpu.memory_space<semaphore_mem>>
      %dma_start3A_39 = tpu.memref_slice %arg2[%mul3A_2] : memref<819200xi32, #tpu.memory_space<hbm>> -> memref<25600xi32, #tpu.memory_space<hbm>>
      %dma_start3A_40 = tpu.memref_slice %arg2[%mul3A_2] : memref<819200xi32, #tpu.memory_space<hbm>> -> memref<25600xi32, #tpu.memory_space<hbm>>
      tpu.enqueue_dma source(%dma_start3A_40 : memref<25600xi32, #tpu.memory_space<hbm>>) target(%arg5 : memref<25600xi32, #tpu.memory_space<vmem>>) target_semaphore(%run_scoped3A : memref<!tpu.dma_semaphore, #tpu.memory_space<semaphore_mem>>)
      %dma_wait3A = tpu.memref_slice %arg2[%mul3A_2] : memref<819200xi32, #tpu.memory_space<hbm>> -> memref<25600xi32, #tpu.memory_space<hbm>>
      %dma_wait3A_41 = tpu.memref_slice %arg2[%mul3A_2] : memref<819200xi32, #tpu.memory_space<hbm>> -> memref<25600xi32, #tpu.memory_space<hbm>>
      tpu.wait_dma2 semaphore(%run_scoped3A : memref<!tpu.dma_semaphore, #tpu.memory_space<semaphore_mem>>) src(%dma_wait3A_41 : memref<25600xi32, #tpu.memory_space<hbm>>) dst(%arg5 : memref<25600xi32, #tpu.memory_space<vmem>>)
      tpu.yield
    }) : () -> ()
    %dma_start3A = arith.constant 0 : i32
    %dma_start3A_3 = arith.constant 0 : i32
    %dma_start3A_4 = tpu.memref_slice %arg6[%dma_start3A, %dma_start3A_3] : memref<512x64xf32, #tpu.memory_space<vmem>> -> memref<128x64xf32, #tpu.memory_space<vmem>>
    %dma_start3A_5 = arith.constant 0 : i32
    %dma_start3A_6 = tpu.memref_slice %arg5[%dma_start3A_5] : memref<25600xi32, #tpu.memory_space<vmem>> -> memref<128xi32, #tpu.memory_space<vmem>>
    %dma_start3A_7 = arith.constant 0 : i32
    %dma_start3A_8 = arith.constant 0 : i32
    %dma_start3A_9 = tpu.memref_slice %arg3[%dma_start3A_7, %dma_start3A_8] : memref<1000000x64xf32, #tpu.memory_space<hbm>> -> memref<1000000x64xf32, #tpu.memory_space<hbm>>
    tpu.enqueue_indirect_dma source(%dma_start3A_9 : memref<1000000x64xf32, #tpu.memory_space<hbm>>) target(%dma_start3A_4 : memref<128x64xf32, #tpu.memory_space<vmem>>) offsets(%dma_start3A_6 : memref<128xi32, #tpu.memory_space<vmem>>) semaphore(%arg8 : memref<!tpu.dma_semaphore, #tpu.memory_space<semaphore_mem>>)
    %dma_start3A_10 = arith.constant 128 : i32
    %dma_start3A_11 = arith.constant 0 : i32
    %dma_start3A_12 = tpu.memref_slice %arg6[%dma_start3A_10, %dma_start3A_11] : memref<512x64xf32, #tpu.memory_space<vmem>> -> memref<128x64xf32, #tpu.memory_space<vmem>>
    %dma_start3A_13 = arith.constant 128 : i32
    %dma_start3A_14 = tpu.memref_slice %arg5[%dma_start3A_13] : memref<25600xi32, #tpu.memory_space<vmem>> -> memref<128xi32, #tpu.memory_space<vmem>>
    %dma_start3A_15 = arith.constant 0 : i32
    %dma_start3A_16 = arith.constant 0 : i32
    %dma_start3A_17 = tpu.memref_slice %arg3[%dma_start3A_15, %dma_start3A_16] : memref<1000000x64xf32, #tpu.memory_space<hbm>> -> memref<1000000x64xf32, #tpu.memory_space<hbm>>
    tpu.enqueue_indirect_dma source(%dma_start3A_17 : memref<1000000x64xf32, #tpu.memory_space<hbm>>) target(%dma_start3A_12 : memref<128x64xf32, #tpu.memory_space<vmem>>) offsets(%dma_start3A_14 : memref<128xi32, #tpu.memory_space<vmem>>) semaphore(%arg8 : memref<!tpu.dma_semaphore, #tpu.memory_space<semaphore_mem>>)
    %dma_start3A_18 = arith.constant 256 : i32
    %dma_start3A_19 = arith.constant 0 : i32
    %dma_start3A_20 = tpu.memref_slice %arg6[%dma_start3A_18, %dma_start3A_19] : memref<512x64xf32, #tpu.memory_space<vmem>> -> memref<128x64xf32, #tpu.memory_space<vmem>>
    %dma_start3A_21 = arith.constant 256 : i32
    %dma_start3A_22 = tpu.memref_slice %arg5[%dma_start3A_21] : memref<25600xi32, #tpu.memory_space<vmem>> -> memref<128xi32, #tpu.memory_space<vmem>>
    %dma_start3A_23 = arith.constant 0 : i32
    %dma_start3A_24 = arith.constant 0 : i32
    %dma_start3A_25 = tpu.memref_slice %arg3[%dma_start3A_23, %dma_start3A_24] : memref<1000000x64xf32, #tpu.memory_space<hbm>> -> memref<1000000x64xf32, #tpu.memory_space<hbm>>
    tpu.enqueue_indirect_dma source(%dma_start3A_25 : memref<1000000x64xf32, #tpu.memory_space<hbm>>) target(%dma_start3A_20 : memref<128x64xf32, #tpu.memory_space<vmem>>) offsets(%dma_start3A_22 : memref<128xi32, #tpu.memory_space<vmem>>) semaphore(%arg8 : memref<!tpu.dma_semaphore, #tpu.memory_space<semaphore_mem>>)
    %dma_start3A_26 = arith.constant 384 : i32
    %dma_start3A_27 = arith.constant 0 : i32
    %dma_start3A_28 = tpu.memref_slice %arg6[%dma_start3A_26, %dma_start3A_27] : memref<512x64xf32, #tpu.memory_space<vmem>> -> memref<128x64xf32, #tpu.memory_space<vmem>>
    %dma_start3A_29 = arith.constant 384 : i32
    %dma_start3A_30 = tpu.memref_slice %arg5[%dma_start3A_29] : memref<25600xi32, #tpu.memory_space<vmem>> -> memref<128xi32, #tpu.memory_space<vmem>>
    %dma_start3A_31 = arith.constant 0 : i32
    %dma_start3A_32 = arith.constant 0 : i32
    %dma_start3A_33 = tpu.memref_slice %arg3[%dma_start3A_31, %dma_start3A_32] : memref<1000000x64xf32, #tpu.memory_space<hbm>> -> memref<1000000x64xf32, #tpu.memory_space<hbm>>
    tpu.enqueue_indirect_dma source(%dma_start3A_33 : memref<1000000x64xf32, #tpu.memory_space<hbm>>) target(%dma_start3A_28 : memref<128x64xf32, #tpu.memory_space<vmem>>) offsets(%dma_start3A_30 : memref<128xi32, #tpu.memory_space<vmem>>) semaphore(%arg8 : memref<!tpu.dma_semaphore, #tpu.memory_space<semaphore_mem>>)
    %scan3A = arith.constant 0 : i32
    %scan3A_34 = arith.constant 0 : i32
    %scan3A_35 = arith.constant 25 : i32
    %scan3A_36 = arith.addi %scan3A_34, %scan3A_35 : i32
    %scan3A_37 = arith.constant 1 : i32
    scf.for %scan3A_39 = %scan3A_34 to %scan3A_36 step %scan3A_37  : i32 {
      %mul3A_40 = arith.constant 2 : i32
      %mul3A_41 = arith.muli %mul3A_40, %scan3A_39 : i32
      %add3A_42 = arith.constant 1 : i32
      %add3A_43 = arith.addi %mul3A_41, %add3A_42 : i32
      %mul3A_44 = arith.constant 512 : i32
      %mul3A_45 = arith.muli %add3A_43, %mul3A_44 : i32
      %add3A_46 = arith.constant 0 : i32
      %add3A_47 = arith.addi %mul3A_45, %add3A_46 : i32
      %dma_start3A_48 = arith.constant 0 : i32
      %dma_start3A_49 = arith.constant 0 : i32
      %dma_start3A_50 = tpu.memref_slice %arg7[%dma_start3A_48, %dma_start3A_49] : memref<512x64xf32, #tpu.memory_space<vmem>> -> memref<128x64xf32, #tpu.memory_space<vmem>>
      %dma_start3A_51 = tpu.memref_slice %arg5[%add3A_47] : memref<25600xi32, #tpu.memory_space<vmem>> -> memref<128xi32, #tpu.memory_space<vmem>>
      %dma_start3A_52 = arith.constant 0 : i32
      %dma_start3A_53 = arith.constant 0 : i32
      %dma_start3A_54 = tpu.memref_slice %arg3[%dma_start3A_52, %dma_start3A_53] : memref<1000000x64xf32, #tpu.memory_space<hbm>> -> memref<1000000x64xf32, #tpu.memory_space<hbm>>
      tpu.enqueue_indirect_dma source(%dma_start3A_54 : memref<1000000x64xf32, #tpu.memory_space<hbm>>) target(%dma_start3A_50 : memref<128x64xf32, #tpu.memory_space<vmem>>) offsets(%dma_start3A_51 : memref<128xi32, #tpu.memory_space<vmem>>) semaphore(%arg9 : memref<!tpu.dma_semaphore, #tpu.memory_space<semaphore_mem>>)
      %mul3A_55 = arith.constant 512 : i32
      %mul3A_56 = arith.muli %add3A_43, %mul3A_55 : i32
      %add3A_57 = arith.constant 128 : i32
      %add3A_58 = arith.addi %mul3A_56, %add3A_57 : i32
      %dma_start3A_59 = arith.constant 128 : i32
      %dma_start3A_60 = arith.constant 0 : i32
      %dma_start3A_61 = tpu.memref_slice %arg7[%dma_start3A_59, %dma_start3A_60] : memref<512x64xf32, #tpu.memory_space<vmem>> -> memref<128x64xf32, #tpu.memory_space<vmem>>
      %dma_start3A_62 = tpu.memref_slice %arg5[%add3A_58] : memref<25600xi32, #tpu.memory_space<vmem>> -> memref<128xi32, #tpu.memory_space<vmem>>
      %dma_start3A_63 = arith.constant 0 : i32
      %dma_start3A_64 = arith.constant 0 : i32
      %dma_start3A_65 = tpu.memref_slice %arg3[%dma_start3A_63, %dma_start3A_64] : memref<1000000x64xf32, #tpu.memory_space<hbm>> -> memref<1000000x64xf32, #tpu.memory_space<hbm>>
      tpu.enqueue_indirect_dma source(%dma_start3A_65 : memref<1000000x64xf32, #tpu.memory_space<hbm>>) target(%dma_start3A_61 : memref<128x64xf32, #tpu.memory_space<vmem>>) offsets(%dma_start3A_62 : memref<128xi32, #tpu.memory_space<vmem>>) semaphore(%arg9 : memref<!tpu.dma_semaphore, #tpu.memory_space<semaphore_mem>>)
      %mul3A_66 = arith.constant 512 : i32
      %mul3A_67 = arith.muli %add3A_43, %mul3A_66 : i32
      %add3A_68 = arith.constant 256 : i32
      %add3A_69 = arith.addi %mul3A_67, %add3A_68 : i32
      %dma_start3A_70 = arith.constant 256 : i32
      %dma_start3A_71 = arith.constant 0 : i32
      %dma_start3A_72 = tpu.memref_slice %arg7[%dma_start3A_70, %dma_start3A_71] : memref<512x64xf32, #tpu.memory_space<vmem>> -> memref<128x64xf32, #tpu.memory_space<vmem>>
      %dma_start3A_73 = tpu.memref_slice %arg5[%add3A_69] : memref<25600xi32, #tpu.memory_space<vmem>> -> memref<128xi32, #tpu.memory_space<vmem>>
      %dma_start3A_74 = arith.constant 0 : i32
      %dma_start3A_75 = arith.constant 0 : i32
      %dma_start3A_76 = tpu.memref_slice %arg3[%dma_start3A_74, %dma_start3A_75] : memref<1000000x64xf32, #tpu.memory_space<hbm>> -> memref<1000000x64xf32, #tpu.memory_space<hbm>>
      tpu.enqueue_indirect_dma source(%dma_start3A_76 : memref<1000000x64xf32, #tpu.memory_space<hbm>>) target(%dma_start3A_72 : memref<128x64xf32, #tpu.memory_space<vmem>>) offsets(%dma_start3A_73 : memref<128xi32, #tpu.memory_space<vmem>>) semaphore(%arg9 : memref<!tpu.dma_semaphore, #tpu.memory_space<semaphore_mem>>)
      %mul3A_77 = arith.constant 512 : i32
      %mul3A_78 = arith.muli %add3A_43, %mul3A_77 : i32
      %add3A_79 = arith.constant 384 : i32
      %add3A_80 = arith.addi %mul3A_78, %add3A_79 : i32
      %dma_start3A_81 = arith.constant 384 : i32
      %dma_start3A_82 = arith.constant 0 : i32
      %dma_start3A_83 = tpu.memref_slice %arg7[%dma_start3A_81, %dma_start3A_82] : memref<512x64xf32, #tpu.memory_space<vmem>> -> memref<128x64xf32, #tpu.memory_space<vmem>>
      %dma_start3A_84 = tpu.memref_slice %arg5[%add3A_80] : memref<25600xi32, #tpu.memory_space<vmem>> -> memref<128xi32, #tpu.memory_space<vmem>>
      %dma_start3A_85 = arith.constant 0 : i32
      %dma_start3A_86 = arith.constant 0 : i32
      %dma_start3A_87 = tpu.memref_slice %arg3[%dma_start3A_85, %dma_start3A_86] : memref<1000000x64xf32, #tpu.memory_space<hbm>> -> memref<1000000x64xf32, #tpu.memory_space<hbm>>
      tpu.enqueue_indirect_dma source(%dma_start3A_87 : memref<1000000x64xf32, #tpu.memory_space<hbm>>) target(%dma_start3A_83 : memref<128x64xf32, #tpu.memory_space<vmem>>) offsets(%dma_start3A_84 : memref<128xi32, #tpu.memory_space<vmem>>) semaphore(%arg9 : memref<!tpu.dma_semaphore, #tpu.memory_space<semaphore_mem>>)
      %mul3A_88 = arith.constant 512 : i32
      %mul3A_89 = arith.muli %mul3A_41, %mul3A_88 : i32
      %add3A_90 = arith.constant 0 : i32
      %add3A_91 = arith.addi %mul3A_89, %add3A_90 : i32
      %dma_wait3A = arith.constant 0 : i32
      %dma_wait3A_92 = arith.constant 0 : i32
      %dma_wait3A_93 = tpu.memref_slice %arg6[%dma_wait3A, %dma_wait3A_92] : memref<512x64xf32, #tpu.memory_space<vmem>> -> memref<128x64xf32, #tpu.memory_space<vmem>>
      %dma_wait3A_94 = tpu.memref_slice %arg5[%add3A_91] : memref<25600xi32, #tpu.memory_space<vmem>> -> memref<128xi32, #tpu.memory_space<vmem>>
      %dma_wait3A_95 = arith.constant 0 : i32
      %dma_wait3A_96 = arith.constant 0 : i32
      %dma_wait3A_97 = tpu.memref_slice %arg3[%dma_wait3A_95, %dma_wait3A_96] : memref<1000000x64xf32, #tpu.memory_space<hbm>> -> memref<1000000x64xf32, #tpu.memory_space<hbm>>
      tpu.wait_indirect_dma semaphore(%arg8 : memref<!tpu.dma_semaphore, #tpu.memory_space<semaphore_mem>>) src(%dma_wait3A_97 : memref<1000000x64xf32, #tpu.memory_space<hbm>>) dst(%dma_wait3A_93 : memref<128x64xf32, #tpu.memory_space<vmem>>)
      %mul3A_98 = arith.constant 512 : i32
      %mul3A_99 = arith.muli %mul3A_41, %mul3A_98 : i32
      %add3A_100 = arith.constant 128 : i32
      %add3A_101 = arith.addi %mul3A_99, %add3A_100 : i32
      %dma_wait3A_102 = arith.constant 128 : i32
      %dma_wait3A_103 = arith.constant 0 : i32
      %dma_wait3A_104 = tpu.memref_slice %arg6[%dma_wait3A_102, %dma_wait3A_103] : memref<512x64xf32, #tpu.memory_space<vmem>> -> memref<128x64xf32, #tpu.memory_space<vmem>>
      %dma_wait3A_105 = tpu.memref_slice %arg5[%add3A_101] : memref<25600xi32, #tpu.memory_space<vmem>> -> memref<128xi32, #tpu.memory_space<vmem>>
      %dma_wait3A_106 = arith.constant 0 : i32
      %dma_wait3A_107 = arith.constant 0 : i32
      %dma_wait3A_108 = tpu.memref_slice %arg3[%dma_wait3A_106, %dma_wait3A_107] : memref<1000000x64xf32, #tpu.memory_space<hbm>> -> memref<1000000x64xf32, #tpu.memory_space<hbm>>
      tpu.wait_indirect_dma semaphore(%arg8 : memref<!tpu.dma_semaphore, #tpu.memory_space<semaphore_mem>>) src(%dma_wait3A_108 : memref<1000000x64xf32, #tpu.memory_space<hbm>>) dst(%dma_wait3A_104 : memref<128x64xf32, #tpu.memory_space<vmem>>)
      %mul3A_109 = arith.constant 512 : i32
      %mul3A_110 = arith.muli %mul3A_41, %mul3A_109 : i32
      %add3A_111 = arith.constant 256 : i32
      %add3A_112 = arith.addi %mul3A_110, %add3A_111 : i32
      %dma_wait3A_113 = arith.constant 256 : i32
      %dma_wait3A_114 = arith.constant 0 : i32
      %dma_wait3A_115 = tpu.memref_slice %arg6[%dma_wait3A_113, %dma_wait3A_114] : memref<512x64xf32, #tpu.memory_space<vmem>> -> memref<128x64xf32, #tpu.memory_space<vmem>>
      %dma_wait3A_116 = tpu.memref_slice %arg5[%add3A_112] : memref<25600xi32, #tpu.memory_space<vmem>> -> memref<128xi32, #tpu.memory_space<vmem>>
      %dma_wait3A_117 = arith.constant 0 : i32
      %dma_wait3A_118 = arith.constant 0 : i32
      %dma_wait3A_119 = tpu.memref_slice %arg3[%dma_wait3A_117, %dma_wait3A_118] : memref<1000000x64xf32, #tpu.memory_space<hbm>> -> memref<1000000x64xf32, #tpu.memory_space<hbm>>
      tpu.wait_indirect_dma semaphore(%arg8 : memref<!tpu.dma_semaphore, #tpu.memory_space<semaphore_mem>>) src(%dma_wait3A_119 : memref<1000000x64xf32, #tpu.memory_space<hbm>>) dst(%dma_wait3A_115 : memref<128x64xf32, #tpu.memory_space<vmem>>)
      %mul3A_120 = arith.constant 512 : i32
      %mul3A_121 = arith.muli %mul3A_41, %mul3A_120 : i32
      %add3A_122 = arith.constant 384 : i32
      %add3A_123 = arith.addi %mul3A_121, %add3A_122 : i32
      %dma_wait3A_124 = arith.constant 384 : i32
      %dma_wait3A_125 = arith.constant 0 : i32
      %dma_wait3A_126 = tpu.memref_slice %arg6[%dma_wait3A_124, %dma_wait3A_125] : memref<512x64xf32, #tpu.memory_space<vmem>> -> memref<128x64xf32, #tpu.memory_space<vmem>>
      %dma_wait3A_127 = tpu.memref_slice %arg5[%add3A_123] : memref<25600xi32, #tpu.memory_space<vmem>> -> memref<128xi32, #tpu.memory_space<vmem>>
      %dma_wait3A_128 = arith.constant 0 : i32
      %dma_wait3A_129 = arith.constant 0 : i32
      %dma_wait3A_130 = tpu.memref_slice %arg3[%dma_wait3A_128, %dma_wait3A_129] : memref<1000000x64xf32, #tpu.memory_space<hbm>> -> memref<1000000x64xf32, #tpu.memory_space<hbm>>
      tpu.wait_indirect_dma semaphore(%arg8 : memref<!tpu.dma_semaphore, #tpu.memory_space<semaphore_mem>>) src(%dma_wait3A_130 : memref<1000000x64xf32, #tpu.memory_space<hbm>>) dst(%dma_wait3A_126 : memref<128x64xf32, #tpu.memory_space<vmem>>)
      %mul3A_131 = arith.constant 512 : i32
      %mul3A_132 = arith.muli %mul3A_41, %mul3A_131 : i32
      %add3A_133 = arith.addi %mul3A_2, %mul3A_132 : i32
      "tpu.region"() ({
        %run_scoped3A = tpu.sem_alloc : memref<!tpu.dma_semaphore, #tpu.memory_space<semaphore_mem>>
        %dma_start3A_187 = arith.constant 0 : i32
        %dma_start3A_188 = tpu.memref_slice %arg4[%add3A_133, %dma_start3A_187] : memref<819200x64xf32, #tpu.memory_space<hbm>> -> memref<512x64xf32, #tpu.memory_space<hbm>>
        %dma_start3A_189 = arith.constant 0 : i32
        %dma_start3A_190 = tpu.memref_slice %arg4[%add3A_133, %dma_start3A_189] : memref<819200x64xf32, #tpu.memory_space<hbm>> -> memref<512x64xf32, #tpu.memory_space<hbm>>
        tpu.enqueue_dma source(%arg6 : memref<512x64xf32, #tpu.memory_space<vmem>>) target(%dma_start3A_190 : memref<512x64xf32, #tpu.memory_space<hbm>>) target_semaphore(%run_scoped3A : memref<!tpu.dma_semaphore, #tpu.memory_space<semaphore_mem>>)
        %dma_wait3A_191 = arith.constant 0 : i32
        %dma_wait3A_192 = tpu.memref_slice %arg4[%add3A_133, %dma_wait3A_191] : memref<819200x64xf32, #tpu.memory_space<hbm>> -> memref<512x64xf32, #tpu.memory_space<hbm>>
        %dma_wait3A_193 = arith.constant 0 : i32
        %dma_wait3A_194 = tpu.memref_slice %arg4[%add3A_133, %dma_wait3A_193] : memref<819200x64xf32, #tpu.memory_space<hbm>> -> memref<512x64xf32, #tpu.memory_space<hbm>>
        tpu.wait_dma2 semaphore(%run_scoped3A : memref<!tpu.dma_semaphore, #tpu.memory_space<semaphore_mem>>) src(%arg6 : memref<512x64xf32, #tpu.memory_space<vmem>>) dst(%dma_wait3A_194 : memref<512x64xf32, #tpu.memory_space<hbm>>)
        tpu.yield
      }) : () -> ()
      %lt3A = arith.constant 24 : i32
      %lt3A_134 = arith.cmpi slt, %scan3A_39, %lt3A : i32
      %convert_element_type3A = arith.extui %lt3A_134 : i1 to i32
      %cond3A = arith.constant 0 : i32
      %cond3A_135 = arith.cmpi ne, %convert_element_type3A, %cond3A : i32
      scf.if %cond3A_135 {
        %add3A_187 = arith.constant 2 : i32
        %add3A_188 = arith.addi %mul3A_41, %add3A_187 : i32
        %mul3A_189 = arith.constant 512 : i32
        %mul3A_190 = arith.muli %add3A_188, %mul3A_189 : i32
        %add3A_191 = arith.constant 0 : i32
        %add3A_192 = arith.addi %mul3A_190, %add3A_191 : i32
        %dma_start3A_193 = arith.constant 0 : i32
        %dma_start3A_194 = arith.constant 0 : i32
        %dma_start3A_195 = tpu.memref_slice %arg6[%dma_start3A_193, %dma_start3A_194] : memref<512x64xf32, #tpu.memory_space<vmem>> -> memref<128x64xf32, #tpu.memory_space<vmem>>
        %dma_start3A_196 = tpu.memref_slice %arg5[%add3A_192] : memref<25600xi32, #tpu.memory_space<vmem>> -> memref<128xi32, #tpu.memory_space<vmem>>
        %dma_start3A_197 = arith.constant 0 : i32
        %dma_start3A_198 = arith.constant 0 : i32
        %dma_start3A_199 = tpu.memref_slice %arg3[%dma_start3A_197, %dma_start3A_198] : memref<1000000x64xf32, #tpu.memory_space<hbm>> -> memref<1000000x64xf32, #tpu.memory_space<hbm>>
        tpu.enqueue_indirect_dma source(%dma_start3A_199 : memref<1000000x64xf32, #tpu.memory_space<hbm>>) target(%dma_start3A_195 : memref<128x64xf32, #tpu.memory_space<vmem>>) offsets(%dma_start3A_196 : memref<128xi32, #tpu.memory_space<vmem>>) semaphore(%arg8 : memref<!tpu.dma_semaphore, #tpu.memory_space<semaphore_mem>>)
        %mul3A_200 = arith.constant 512 : i32
        %mul3A_201 = arith.muli %add3A_188, %mul3A_200 : i32
        %add3A_202 = arith.constant 128 : i32
        %add3A_203 = arith.addi %mul3A_201, %add3A_202 : i32
        %dma_start3A_204 = arith.constant 128 : i32
        %dma_start3A_205 = arith.constant 0 : i32
        %dma_start3A_206 = tpu.memref_slice %arg6[%dma_start3A_204, %dma_start3A_205] : memref<512x64xf32, #tpu.memory_space<vmem>> -> memref<128x64xf32, #tpu.memory_space<vmem>>
        %dma_start3A_207 = tpu.memref_slice %arg5[%add3A_203] : memref<25600xi32, #tpu.memory_space<vmem>> -> memref<128xi32, #tpu.memory_space<vmem>>
        %dma_start3A_208 = arith.constant 0 : i32
        %dma_start3A_209 = arith.constant 0 : i32
        %dma_start3A_210 = tpu.memref_slice %arg3[%dma_start3A_208, %dma_start3A_209] : memref<1000000x64xf32, #tpu.memory_space<hbm>> -> memref<1000000x64xf32, #tpu.memory_space<hbm>>
        tpu.enqueue_indirect_dma source(%dma_start3A_210 : memref<1000000x64xf32, #tpu.memory_space<hbm>>) target(%dma_start3A_206 : memref<128x64xf32, #tpu.memory_space<vmem>>) offsets(%dma_start3A_207 : memref<128xi32, #tpu.memory_space<vmem>>) semaphore(%arg8 : memref<!tpu.dma_semaphore, #tpu.memory_space<semaphore_mem>>)
        %mul3A_211 = arith.constant 512 : i32
        %mul3A_212 = arith.muli %add3A_188, %mul3A_211 : i32
        %add3A_213 = arith.constant 256 : i32
        %add3A_214 = arith.addi %mul3A_212, %add3A_213 : i32
        %dma_start3A_215 = arith.constant 256 : i32
        %dma_start3A_216 = arith.constant 0 : i32
        %dma_start3A_217 = tpu.memref_slice %arg6[%dma_start3A_215, %dma_start3A_216] : memref<512x64xf32, #tpu.memory_space<vmem>> -> memref<128x64xf32, #tpu.memory_space<vmem>>
        %dma_start3A_218 = tpu.memref_slice %arg5[%add3A_214] : memref<25600xi32, #tpu.memory_space<vmem>> -> memref<128xi32, #tpu.memory_space<vmem>>
        %dma_start3A_219 = arith.constant 0 : i32
        %dma_start3A_220 = arith.constant 0 : i32
        %dma_start3A_221 = tpu.memref_slice %arg3[%dma_start3A_219, %dma_start3A_220] : memref<1000000x64xf32, #tpu.memory_space<hbm>> -> memref<1000000x64xf32, #tpu.memory_space<hbm>>
        tpu.enqueue_indirect_dma source(%dma_start3A_221 : memref<1000000x64xf32, #tpu.memory_space<hbm>>) target(%dma_start3A_217 : memref<128x64xf32, #tpu.memory_space<vmem>>) offsets(%dma_start3A_218 : memref<128xi32, #tpu.memory_space<vmem>>) semaphore(%arg8 : memref<!tpu.dma_semaphore, #tpu.memory_space<semaphore_mem>>)
        %mul3A_222 = arith.constant 512 : i32
        %mul3A_223 = arith.muli %add3A_188, %mul3A_222 : i32
        %add3A_224 = arith.constant 384 : i32
        %add3A_225 = arith.addi %mul3A_223, %add3A_224 : i32
        %dma_start3A_226 = arith.constant 384 : i32
        %dma_start3A_227 = arith.constant 0 : i32
        %dma_start3A_228 = tpu.memref_slice %arg6[%dma_start3A_226, %dma_start3A_227] : memref<512x64xf32, #tpu.memory_space<vmem>> -> memref<128x64xf32, #tpu.memory_space<vmem>>
        %dma_start3A_229 = tpu.memref_slice %arg5[%add3A_225] : memref<25600xi32, #tpu.memory_space<vmem>> -> memref<128xi32, #tpu.memory_space<vmem>>
        %dma_start3A_230 = arith.constant 0 : i32
        %dma_start3A_231 = arith.constant 0 : i32
        %dma_start3A_232 = tpu.memref_slice %arg3[%dma_start3A_230, %dma_start3A_231] : memref<1000000x64xf32, #tpu.memory_space<hbm>> -> memref<1000000x64xf32, #tpu.memory_space<hbm>>
        tpu.enqueue_indirect_dma source(%dma_start3A_232 : memref<1000000x64xf32, #tpu.memory_space<hbm>>) target(%dma_start3A_228 : memref<128x64xf32, #tpu.memory_space<vmem>>) offsets(%dma_start3A_229 : memref<128xi32, #tpu.memory_space<vmem>>) semaphore(%arg8 : memref<!tpu.dma_semaphore, #tpu.memory_space<semaphore_mem>>)
      } else {
      }
      %add3A_136 = arith.constant 1 : i32
      %add3A_137 = arith.addi %mul3A_41, %add3A_136 : i32
      %mul3A_138 = arith.constant 512 : i32
      %mul3A_139 = arith.muli %add3A_137, %mul3A_138 : i32
      %add3A_140 = arith.constant 0 : i32
      %add3A_141 = arith.addi %mul3A_139, %add3A_140 : i32
      %dma_wait3A_142 = arith.constant 0 : i32
      %dma_wait3A_143 = arith.constant 0 : i32
      %dma_wait3A_144 = tpu.memref_slice %arg7[%dma_wait3A_142, %dma_wait3A_143] : memref<512x64xf32, #tpu.memory_space<vmem>> -> memref<128x64xf32, #tpu.memory_space<vmem>>
      %dma_wait3A_145 = tpu.memref_slice %arg5[%add3A_141] : memref<25600xi32, #tpu.memory_space<vmem>> -> memref<128xi32, #tpu.memory_space<vmem>>
      %dma_wait3A_146 = arith.constant 0 : i32
      %dma_wait3A_147 = arith.constant 0 : i32
      %dma_wait3A_148 = tpu.memref_slice %arg3[%dma_wait3A_146, %dma_wait3A_147] : memref<1000000x64xf32, #tpu.memory_space<hbm>> -> memref<1000000x64xf32, #tpu.memory_space<hbm>>
      tpu.wait_indirect_dma semaphore(%arg9 : memref<!tpu.dma_semaphore, #tpu.memory_space<semaphore_mem>>) src(%dma_wait3A_148 : memref<1000000x64xf32, #tpu.memory_space<hbm>>) dst(%dma_wait3A_144 : memref<128x64xf32, #tpu.memory_space<vmem>>)
      %mul3A_149 = arith.constant 512 : i32
      %mul3A_150 = arith.muli %add3A_137, %mul3A_149 : i32
      %add3A_151 = arith.constant 128 : i32
      %add3A_152 = arith.addi %mul3A_150, %add3A_151 : i32
      %dma_wait3A_153 = arith.constant 128 : i32
      %dma_wait3A_154 = arith.constant 0 : i32
      %dma_wait3A_155 = tpu.memref_slice %arg7[%dma_wait3A_153, %dma_wait3A_154] : memref<512x64xf32, #tpu.memory_space<vmem>> -> memref<128x64xf32, #tpu.memory_space<vmem>>
      %dma_wait3A_156 = tpu.memref_slice %arg5[%add3A_152] : memref<25600xi32, #tpu.memory_space<vmem>> -> memref<128xi32, #tpu.memory_space<vmem>>
      %dma_wait3A_157 = arith.constant 0 : i32
      %dma_wait3A_158 = arith.constant 0 : i32
      %dma_wait3A_159 = tpu.memref_slice %arg3[%dma_wait3A_157, %dma_wait3A_158] : memref<1000000x64xf32, #tpu.memory_space<hbm>> -> memref<1000000x64xf32, #tpu.memory_space<hbm>>
      tpu.wait_indirect_dma semaphore(%arg9 : memref<!tpu.dma_semaphore, #tpu.memory_space<semaphore_mem>>) src(%dma_wait3A_159 : memref<1000000x64xf32, #tpu.memory_space<hbm>>) dst(%dma_wait3A_155 : memref<128x64xf32, #tpu.memory_space<vmem>>)
      %mul3A_160 = arith.constant 512 : i32
      %mul3A_161 = arith.muli %add3A_137, %mul3A_160 : i32
      %add3A_162 = arith.constant 256 : i32
      %add3A_163 = arith.addi %mul3A_161, %add3A_162 : i32
      %dma_wait3A_164 = arith.constant 256 : i32
      %dma_wait3A_165 = arith.constant 0 : i32
      %dma_wait3A_166 = tpu.memref_slice %arg7[%dma_wait3A_164, %dma_wait3A_165] : memref<512x64xf32, #tpu.memory_space<vmem>> -> memref<128x64xf32, #tpu.memory_space<vmem>>
      %dma_wait3A_167 = tpu.memref_slice %arg5[%add3A_163] : memref<25600xi32, #tpu.memory_space<vmem>> -> memref<128xi32, #tpu.memory_space<vmem>>
      %dma_wait3A_168 = arith.constant 0 : i32
      %dma_wait3A_169 = arith.constant 0 : i32
      %dma_wait3A_170 = tpu.memref_slice %arg3[%dma_wait3A_168, %dma_wait3A_169] : memref<1000000x64xf32, #tpu.memory_space<hbm>> -> memref<1000000x64xf32, #tpu.memory_space<hbm>>
      tpu.wait_indirect_dma semaphore(%arg9 : memref<!tpu.dma_semaphore, #tpu.memory_space<semaphore_mem>>) src(%dma_wait3A_170 : memref<1000000x64xf32, #tpu.memory_space<hbm>>) dst(%dma_wait3A_166 : memref<128x64xf32, #tpu.memory_space<vmem>>)
      %mul3A_171 = arith.constant 512 : i32
      %mul3A_172 = arith.muli %add3A_137, %mul3A_171 : i32
      %add3A_173 = arith.constant 384 : i32
      %add3A_174 = arith.addi %mul3A_172, %add3A_173 : i32
      %dma_wait3A_175 = arith.constant 384 : i32
      %dma_wait3A_176 = arith.constant 0 : i32
      %dma_wait3A_177 = tpu.memref_slice %arg7[%dma_wait3A_175, %dma_wait3A_176] : memref<512x64xf32, #tpu.memory_space<vmem>> -> memref<128x64xf32, #tpu.memory_space<vmem>>
      %dma_wait3A_178 = tpu.memref_slice %arg5[%add3A_174] : memref<25600xi32, #tpu.memory_space<vmem>> -> memref<128xi32, #tpu.memory_space<vmem>>
      %dma_wait3A_179 = arith.constant 0 : i32
      %dma_wait3A_180 = arith.constant 0 : i32
      %dma_wait3A_181 = tpu.memref_slice %arg3[%dma_wait3A_179, %dma_wait3A_180] : memref<1000000x64xf32, #tpu.memory_space<hbm>> -> memref<1000000x64xf32, #tpu.memory_space<hbm>>
      tpu.wait_indirect_dma semaphore(%arg9 : memref<!tpu.dma_semaphore, #tpu.memory_space<semaphore_mem>>) src(%dma_wait3A_181 : memref<1000000x64xf32, #tpu.memory_space<hbm>>) dst(%dma_wait3A_177 : memref<128x64xf32, #tpu.memory_space<vmem>>)
      %add3A_182 = arith.constant 1 : i32
      %add3A_183 = arith.addi %mul3A_41, %add3A_182 : i32
      %mul3A_184 = arith.constant 512 : i32
      %mul3A_185 = arith.muli %add3A_183, %mul3A_184 : i32
      %add3A_186 = arith.addi %mul3A_2, %mul3A_185 : i32
      "tpu.region"() ({
        %run_scoped3A = tpu.sem_alloc : memref<!tpu.dma_semaphore, #tpu.memory_space<semaphore_mem>>
        %dma_start3A_187 = arith.constant 0 : i32
        %dma_start3A_188 = tpu.memref_slice %arg4[%add3A_186, %dma_start3A_187] : memref<819200x64xf32, #tpu.memory_space<hbm>> -> memref<512x64xf32, #tpu.memory_space<hbm>>
        %dma_start3A_189 = arith.constant 0 : i32
        %dma_start3A_190 = tpu.memref_slice %arg4[%add3A_186, %dma_start3A_189] : memref<819200x64xf32, #tpu.memory_space<hbm>> -> memref<512x64xf32, #tpu.memory_space<hbm>>
        tpu.enqueue_dma source(%arg7 : memref<512x64xf32, #tpu.memory_space<vmem>>) target(%dma_start3A_190 : memref<512x64xf32, #tpu.memory_space<hbm>>) target_semaphore(%run_scoped3A : memref<!tpu.dma_semaphore, #tpu.memory_space<semaphore_mem>>)
        %dma_wait3A_191 = arith.constant 0 : i32
        %dma_wait3A_192 = tpu.memref_slice %arg4[%add3A_186, %dma_wait3A_191] : memref<819200x64xf32, #tpu.memory_space<hbm>> -> memref<512x64xf32, #tpu.memory_space<hbm>>
        %dma_wait3A_193 = arith.constant 0 : i32
        %dma_wait3A_194 = tpu.memref_slice %arg4[%add3A_186, %dma_wait3A_193] : memref<819200x64xf32, #tpu.memory_space<hbm>> -> memref<512x64xf32, #tpu.memory_space<hbm>>
        tpu.wait_dma2 semaphore(%run_scoped3A : memref<!tpu.dma_semaphore, #tpu.memory_space<semaphore_mem>>) src(%arg7 : memref<512x64xf32, #tpu.memory_space<vmem>>) dst(%dma_wait3A_194 : memref<512x64xf32, #tpu.memory_space<hbm>>)
        tpu.yield
      }) : () -> ()
    }
    %scan3A_38 = arith.constant 25 : i32
    return
  }
}

</mosaic_0001>

<sc_bundles>
// kernel: kernel.3.cloned.1.call-start
scs
__scs_entry_jumppad:
0x0: {  	(pc) =	sbr.rel $0x88, $3  }
0x1: {  	(tag) =	ssettag $0x0;
	lr =	simm.s32 $0x1  }
0x2: {  	[smem:$0x3F9F] =	sst lr;
	_ =	strace $0xD0000000  }
0x3: {  	_ = 	snop  }
0x4: {  	_ = 	snop  }
0x5: {  	_ = 	snop  }
0x6: {  	_ = 	snop  }
0x7: {  	_ = 	snop  }
__scs_overlays_trampoline_lowered:
0x8: {  	[smem:$0x3FAE] =	sst s0  }
0x9: {  	[smem:$0x3FAF] =	sst s1  }
0xa: {  	[smem:$0x3FB0] =	sst s2  }
0xb: {  	[smem:$0x3FB1] =	sst s3  }
0xc: {  	[smem:$0x3FB2] =	sst s4  }
0xd: {  	[smem:$0x3FB3] =	sst s5  }
0xe: {  	[smem:$0x3FB4] =	sst s6  }
0xf: {  	[smem:$0x3FB5] =	sst s7  }
0x10: {  	[smem:$0x3FB6] =	sst s8  }
0x11: {  	[smem:$0x3FB7] =	sst s9;
	s0 =	simm.s32 @!p0 $0x0  }
0x12: {  	s1 =	sld [smem:$0x3F9D];
	s0 =	simm.s32 @p0 $0x1  }
0x13: {  	[smem:$0x3FB8] =	sst s0;
	s0 =	simm.s32 @!p1 $0x0  }
0x14: {  	s2 =	sld [smem:$0x3F9C];
	s0 =	simm.s32 @p1 $0x1  }
0x15: {  	[smem:$0x3FB9] =	sst s0;
	s0 =	simm.s32 @!p2 $0x0  }
0x16: {  	s3 =	sld [smem:$0x3FDB];
	s0 =	simm.s32 @p2 $0x1  }
0x17: {  	s4 =	simm.s32 $0x1BF5;
	[smem:$0x3FBB] =	sst s0  }
0x18: {  	s0 =	sld [smem:$0x3F9E];
	_ =	swait.ge [sflag:s4], $0x0  }
0x19: {  	s7 =	sld [smem:$0x3F9F]  }
0x1a: {  	s8 =	sadd.s32 $0xFFFFE003, lr  }
0x1b: {  	s9 =	sadd.s32 $0xFFFFFEF7, lr;
	s5 =	simm.s32 $0xFFFFFFFF;
	p2 =	slt.u32 s8, $0xFFFFF086  }
0x1c: {  	p1 =	slt.u32 s9, $0xF7A;
	s5 =	simm.s32 @!p2 $0x0  }
0x1d: {  	s5 =	simm.s32 @p1 $0x1;
	p0 =	seq.s32 s7, s2  }
0x1e: {  	s7 =	smul.u32 @!p0 $0xF7A, s2;
	p2 =	seq.s32 @!p0 s5, $0x0  }
0x1f: {  	s9 =	smul.u32 $0xF7A, s1;
	s8 =	simm.s32 @!p0 $0x1BF5;
	p2 =	por !p2, p0  }
0x20: {  	[sflag:s8] =	ssyncset.s32 @!p0 $0xFFFFF086;
	s6 =	sadd.s32 @!p0 s3, s7;
	s7 =	simm.s32 @!p0 $0x108  }
0x21: {  	s3 =	sadd.s32 s3, s9;
	s6 =	sadd.s32 @!p0 $0x88, s6;
	s7 =	simm.s32 @p2 $0x1082  }
0x22: {  	[simem:s7], [sflag:s8] =	dma.local @!p0 [hbm:s6], $0xF7A  }
0x23: {  	s9 =	sor.u32 $0xD0000000, s2;
	s6 =	simm.s32 $0x108;
	_ =	swait.ge @!p0 [sflag:s8], $0x0  }
0x24: {  	s3 =	sadd.s32 $0x88, s3;
	s6 =	simm.s32 @!p1 $0x1082;
	[sflag:s4] =	ssyncset.s32 $0xFFFFF086  }
0x25: {  	[simem:s6], [sflag:s4] =	dma.local [hbm:s3], $0xF7A  }
0x26: {  	[smem:$0x3F9F] =	sst s1;
	(tag) =	ssettag s2;
	_ =	strace s9  }
0x27: {  	s1 =	sld [smem:$0x3FAF]  }
0x28: {  	s2 =	sld [smem:$0x3FB0]  }
0x29: {  	s4 =	sld [smem:$0x3FB2]  }
0x2a: {  	p0 =	seq.s32 s5, $0x0;
	s5 =	sld [smem:$0x3FB3]  }
0x2b: {  	s6 =	sld [smem:$0x3FB4]  }
0x2c: {  	s7 =	sld [smem:$0x3FB5]  }
0x2d: {  	s3 =	simm.s32 $0x108;
	s8 =	sld [smem:$0x3FB6]  }
0x2e: {  	s3 =	simm.s32 @!p0 $0x1082;
	s9 =	sld [smem:$0x3FB7]  }
0x2f: {  	lr =	sadd.s32 s0, s3;
	s0 =	sld [smem:$0x3FAE]  }
0x30: {  	s3 =	sld [smem:$0x3FB1]  }
0x31: {  	[smem:$0x3FBA] =	sst s10  }
0x32: {  	s10 =	sld [smem:$0x3FB8];
	_ =	sdelay $0x3  }
0x33: {  	p0 =	seq.s32 s10, $0x1;
	s10 =	sld [smem:$0x3FBA];
	_ =	sdelay $0x3  }
0x34: {  	[smem:$0x3FBA] =	sst s10  }
0x35: {  	s10 =	sld [smem:$0x3FB9];
	_ =	sdelay $0x3  }
0x36: {  	p1 =	seq.s32 s10, $0x1;
	s10 =	sld [smem:$0x3FBA];
	_ =	sdelay $0x3  }
0x37: {  	[smem:$0x3FBA] =	sst s10  }
0x38: {  	s10 =	sld [smem:$0x3FBB]  }
0x39: {  	_ = 	snop;
	(pc) =	sbr.ind lr, $3  }
0x3a: {  	_ = 	snop  }
0x3b: {  	_ = 	snop  }
0x3c: {  	p2 =	seq.s32 s10, $0x1;
	s10 =	sld [smem:$0x3FBA]  }
0x3d: {  	_ =	shalt  }
0x3e: {  	_ =	shalt  }
0x3f: {  	_ =	shalt  }
0x40: {  	_ =	shalt  }
0x41: {  	_ =	shalt  }
0x42: {  	_ =	shalt  }
0x43: {  	_ =	shalt  }
0x44: {  	_ =	shalt  }
0x45: {  	_ =	shalt  }
0x46: {  	_ =	shalt  }
0x47: {  	_ =	shalt  }
0x48: {  	_ =	shalt  }
0x49: {  	_ =	shalt  }
0x4a: {  	_ =	shalt  }
0x4b: {  	_ =	shalt  }
0x4c: {  	_ =	shalt  }
0x4d: {  	_ =	shalt  }
0x4e: {  	_ =	shalt  }
0x4f: {  	_ =	shalt  }
0x50: {  	_ =	shalt  }
0x51: {  	_ =	shalt  }
0x52: {  	_ =	shalt  }
0x53: {  	_ =	shalt  }
0x54: {  	_ =	shalt  }
0x55: {  	_ =	shalt  }
0x56: {  	_ =	shalt  }
0x57: {  	_ =	shalt  }
0x58: {  	_ =	shalt  }
0x59: {  	_ =	shalt  }
0x5a: {  	_ =	shalt  }
0x5b: {  	_ =	shalt  }
0x5c: {  	_ =	shalt  }
0x5d: {  	_ =	shalt  }
0x5e: {  	_ =	shalt  }
0x5f: {  	_ =	shalt  }
0x60: {  	_ =	shalt  }
0x61: {  	_ =	shalt  }
0x62: {  	_ =	shalt  }
0x63: {  	_ =	shalt  }
0x64: {  	_ =	shalt  }
0x65: {  	_ =	shalt  }
0x66: {  	_ =	shalt  }
0x67: {  	_ =	shalt  }
0x68: {  	_ =	shalt  }
0x69: {  	_ =	shalt  }
0x6a: {  	_ =	shalt  }
0x6b: {  	_ =	shalt  }
0x6c: {  	_ =	shalt  }
0x6d: {  	_ =	shalt  }
0x6e: {  	_ =	shalt  }
0x6f: {  	_ =	shalt  }
0x70: {  	_ =	shalt  }
0x71: {  	_ =	shalt  }
0x72: {  	_ =	shalt  }
0x73: {  	_ =	shalt  }
0x74: {  	_ =	shalt  }
0x75: {  	_ =	shalt  }
0x76: {  	_ =	shalt  }
0x77: {  	_ =	shalt  }
0x78: {  	_ =	shalt  }
0x79: {  	_ =	shalt  }
0x7a: {  	_ =	shalt  }
0x7b: {  	_ =	shalt  }
0x7c: {  	_ =	shalt  }
0x7d: {  	_ =	shalt  }
0x7e: {  	_ =	shalt  }
0x7f: {  	_ =	shalt  }
0x80: {  	_ =	shalt  }
0x81: {  	_ =	shalt  }
0x82: {  	_ =	shalt  }
0x83: {  	_ =	shalt  }
0x84: {  	_ =	shalt  }
0x85: {  	_ =	shalt  }
0x86: {  	_ =	shalt  }
0x87: {  	_ =	shalt  }
.Lfunc_end0:
.L_simem_size_0:
called_computation.1_lowered:
.L_overlay_start_0:
0x88: {  	s2 =	sld [smem:$0x3FD9]  }
0x89: {  	s3 =	sld [smem:$0x3FFE];
	_ =	sdelay $0x1  }
0x8a: {  	s1 =	srdreg.scid  }
0x8b: {  	s0 =	sand.u32 $0x1, s1  }
0x8c: {  	s17 =	sshll.u32 s0, $0xA;
	s2 =	sadd.s32 s3, s2  }
0x8d: {  	s2 =	sadd.s32 s2, s17  }
0x8e: {  	[smem:$0x3FC6] =	sst s2  }
0x8f: {  	_ = 	snop  }
0x90: {  	s2 =	sld [smem:$0x3FD0];
	(tm) =	ssettm $0x1  }
0x91: {  	s18 =	sld [smem:$0x3FFB];
	_ =	sdelay $0x3  }
0x92: {  	_ =	strace s18  }
0x93: {  	s3 =	sld [smem:$0x3FFC];
	_ =	sdelay $0x3  }
0x94: {  	_ =	strace s3  }
0x95: {  	s3 =	sld [smem:$0x3FFD];
	_ =	sdelay $0x3  }
0x96: {  	_ =	strace s3  }
0x97: {  	_ =	strace $0x8FFFFFFF  }
0x98: {  	s19 =	sld [smem:$0x3FDB];
	_ =	sdelay $0x1  }
0x99: {  	s4 =	simm.s32 $_scs_section_size  }
0x9a: {  	s5 =	simm.s32 $_size__tile_overlayer_lowered;
	s6 =	simm.s32 $_tile_overlayer_lowered  }
0x9b: {  	s22 =	simm.s32 $0x1BFF;
	s21 =	sshll.u32 s6, $0x1;
	s3 =	sadd.s32 s4, s19  }
0x9c: {  	s7 =	simm.s32 $0x0;
	s20 =	sshll.u32 s5, $0x1;
	s5 =	sadd.s32 s21, s3  }
0x9d: {  	[timem:s7], [sflag:s22] =	dma.local [hbm:s5], s20  }
0x9e: {  	_ =	swait.ge [sflag:s22], s20  }
0x9f: {  	s4 =	ssub.s32 $0x0, s20;
	[sflag:s22] =	ssyncset.done $0x0  }
0xa0: {  	[sflag:s22] =	ssyncadd.s32 s4;
	_ =	sdelay $0x1  }
0xa1: {  	s23 =	simm.s32 $0x1B8B  }
0xa2: {  	_ =	swait.ge [sflag:s23], $0x1  }
0xa3: {  	[sflag:s23] =	ssyncset.done $0x0  }
0xa4: {  	s25 =	simm.s32 $0x1B8E;
	s24 =	sld [smem:$0x3FFE];
	[sflag:s23] =	ssyncadd.s32 $0xFFFFFFFF  }
0xa5: {  	s26 =	simm.s32 $execute0_lowered;
	[smem:$0x3FD2] =	sst s25  }
0xa6: {  	s5 =	sshll.u32 s26, $0x1;
	_ =	strace $0x80000046;
	[dreg:$0x1] =	wrdreg $0xFFFFFFFF  }
0xa7: {  	s28 =	simm.s32 $_size_execute0_lowered;
	s3 =	sadd.s32 s3, s5;
	[dreg:$0x0] =	wrdreg $0x0  }
0xa8: {  	s5 =	sshll.u32 s28, $0x1;
	[dreg:$0x2] =	wrdreg s3  }
0xa9: {  	[dreg:$0x3] =	wrdreg s5  }
0xaa: {  	[dreg:$0x4] =	wrdreg $0xC0  }
0xab: {  	_ =	task [dreg:s7], $0x5FFFF  }
0xac: {  	[dreg:$0x1] =	wrdreg $0xFFFFFFFF  }
0xad: {  	[dreg:$0x0] =	wrdreg $0x60  }
0xae: {  	[dreg:$0x2] =	wrdreg s24  }
0xaf: {  	[dreg:$0x3] =	wrdreg s2  }
0xb0: {  	[dreg:$0x4] =	wrdreg $0x9  }
0xb1: {  	_ =	task.clear_ibuf [dreg:s7], $0x5FFFF;
	_ =	strace $0x90000046  }
0xb2: {  	s29 =	simm.s32 $0x9;
	_ =	strace $0x80000048  }
0xb3: {  	_ =	swait.ge [sflag:s29], $0x1  }
0xb4: {  	[sflag:s29] =	ssyncadd.s32 $0xFFFFFFFF  }
0xb5: {  	_ =	strace $0x90000048  }
0xb6: {  	_ =	sfence  }
0xb7: {  	s30 =	sld [smem:$0x0];
	_ =	sdelay $0x2  }
0xb8: {  	s31 =	sshll.u32 s1, $0xD;
	s1 =	sshrl.u32 s1, $0x2  }
0xb9: {  	s3 =	sand.u32 $0x4000, s31;
	s1 =	sadd.s32 s1, s30  }
0xba: {  	s0 =	sor.u32 s3, s0;
	s1 =	sshll.u32 s1, $0x11  }
0xbb: {  	s0 =	sor.u32 s1, s0  }
0xbc: {  	s0 =	sadd.s32 $0x8F2B, s0  }
0xbd: {  	[sflag:s0] =	ssyncadd.remote.s32 $0x1  }
0xbe: {  	_ =	sfence.sel $0xFFFF  }
0xbf: {  	[dreg:$0x0] =	wrdreg $0xFFFFFFFF;
	(pc) =	sbr.abs _section_cstart, $3  }
0xc0: {  	[dreg:$0x1] =	wrdreg $0xFFFFFFFF  }
0xc1: {  	_ =	task.clear_ibuf [dreg:s7], $0x2FFFF;
	_ =	strace $0x9FFFFFFF  }
0xc2: {  	(tm) =	ssettm $0x7FFFFFFF  }
0xc3: {  	_ =	shalt  }
tec
execute0_lowered:
.L_overlay_start_1:
0x0: {  	(tag) =	ssettag $0x1  }
0x1: {  	s0 =	srdreg.scid;
	s1 =	rddreg [dreg:$0x0]  }
0x2: {  	s10 =	stileid.u32;
	s8 =	rddreg [dreg:$0x1];
	s12 =	simm.s32 $0x6400  }
0x3: {  	s13 =	simm.s32 $0x8400;
	s15 =	simm.s32 $0xA400;
	s17 =	simm.s32 $0xC400  }
0x4: {  	s18 =	simm.s32 $0xE400;
	s19 =	simm.s32 $0x10400;
	s20 =	simm.s32 $0x12400  }
0x5: {  	s21 =	simm.s32 $0x14400;
	s22 =	simm.s32 $0x1;
	s9 =	smul.u32 $0x320000, s10  }
0x6: {  	s0 =	sand.u32 $0x1, s0;
	s2 =	sshll.u32 s10, $0x1;
	s10 =	smul.u32 $0xC800, s10  }
0x7: {  	s23 =	simm.s32 $0x2;
	s25 =	simm.s32 $0x6280;
	s11 =	smul.u32 $0x6400, s0  }
0x8: {  	s3 =	sor.u32 s0, s2;
	s6 =	ssub.s32 $0x2, s0;
	s0 =	smul.u32 $0x190000, s0  }
0x9: {  	s28 =	simm.s32 $0x6380;
	s2 =	simm.s32 $0x0;
	s4 =	smul.u32 $0x6400, s3  }
0xa: {  	s29 =	simm.s32 $0x0;
	[smem:$0x7FF] =	sst s2;
	s5 =	smul.u32 $0x190000, s3  }
0xb: {  	s7 =	smul.u32 $0x32000, s3;
	s3 =	sadd.s32 $0xF42E00, s1;
	s26 =	sshrl.u32 s6, $0x1  }
0xc: {  	_ =	strace $0x80000047;
	s31 =	sadd.s32 s11, s10;
	s0 =	sadd.s32 s0, s9  }
0xd: {  	s10 =	simm.s32 $0x3;
	s11 =	simm.s32 $0x80;
	s4 =	sshrl.u32 s4, $0x3  }
0xe: {  	s5 =	sshrl.u32 s5, $0x3;
	s7 =	sadd.s32 s8, s7;
	s0 =	sshrl.u32 s0, $0x3  }
0xf: {  	s4 =	sadd.s32 s4, s1;
	s1 =	ssub.s32 s6, s26;
	s30 =	sadd.s32 s8, s5  }
0x10: {  	s7 =	sadd.s32 $0x31000, s7;
	s5 =	smax.u32 s1, $0x1;
	s1 =	sshll.u32 s31, $0x3  }
0x11: {  	s26 =	simm.s32 $0x6300;
	s4 =	sadd.s32 $0xA00, s4;
	s1 =	sadd.s32 s1, s8  }
0x12: {  	s6 =	sadd.s32 $0x30000, s30;
	s8 =	sadd.s32 s0, s8;
	s9 =	sadd.s32 $0x1000, s1  }
.LBB2_1:
0x13: {  	[tilespmem:s2], [sflag:$0x3] =	stream.linear.gather [hbm4b:s4+s2], $0x6400, $0x38;
	[tilespmem:$0x16400] =	vst v63  }
0x14: {  	_ =	swait.ge [sflag:s10], $0x6400  }
0x15: {  	[sflag:s10] =	ssyncset.done $0x0  }
0x16: {  	[sflag:s10] =	ssyncadd.s32 $0xFFFF9C00  }
0x17: {  	[tilespmem:s12], [sflag:$0x1] =	stream.indirect.gather [hbm4b:s3+s11], $0x40, s2, s11, $0xb8;
	[tilespmem:$0x16400] =	vst v63  }
0x18: {  	_ = 	snop  }
0x19: {  	[tilespmem:s13], [sflag:$0x1] =	stream.indirect.gather [hbm4b:s3+s11], $0x40, s11, s11, $0xb8;
	[tilespmem:$0x16400] =	vst v63  }
0x1a: {  	s0 =	simm.s32 $0x100  }
0x1b: {  	[tilespmem:s15], [sflag:$0x1] =	stream.indirect.gather [hbm4b:s3+s11], $0x40, s0, s11, $0xb8;
	[tilespmem:$0x16400] =	vst v63  }
0x1c: {  	s24 =	simm.s32 $0x180  }
0x1d: {  	[tilespmem:s17], [sflag:$0x1] =	stream.indirect.gather [hbm4b:s3+s11], $0x40, s24, s11, $0xb8;
	[tilespmem:$0x16400] =	vst v63  }
0x1e: {  	s1 =	simm.s32 $0x200  }
0x1f: {  	[tilespmem:s18], [sflag:$0x2] =	stream.indirect.gather [hbm4b:s3+s11], $0x40, s1, s11, $0xb8;
	[tilespmem:$0x16400] =	vst v63  }
0x20: {  	s14 =	simm.s32 $0x280  }
0x21: {  	[tilespmem:s19], [sflag:$0x2] =	stream.indirect.gather [hbm4b:s3+s11], $0x40, s14, s11, $0xb8;
	[tilespmem:$0x16400] =	vst v63  }
0x22: {  	s16 =	simm.s32 $0x300  }
0x23: {  	[tilespmem:s20], [sflag:$0x2] =	stream.indirect.gather [hbm4b:s3+s11], $0x40, s16, s11, $0xb8;
	[tilespmem:$0x16400] =	vst v63  }
0x24: {  	s24 =	simm.s32 $0x380  }
0x25: {  	[tilespmem:s21], [sflag:$0x2] =	stream.indirect.gather [hbm4b:s3+s11], $0x40, s24, s11, $0xb8;
	[tilespmem:$0x16400] =	vst v63  }
0x26: {  	_ =	swait.ge [sflag:s22], $0x2000  }
0x27: {  	[sflag:s22] =	ssyncset.done $0x0  }
0x28: {  	[sflag:s22] =	ssyncadd.s32 $0xFFFFE000  }
0x29: {  	_ =	swait.ge [sflag:s22], $0x2000  }
0x2a: {  	[sflag:s22] =	ssyncset.done $0x0  }
0x2b: {  	[sflag:s22] =	ssyncadd.s32 $0xFFFFE000  }
0x2c: {  	_ =	swait.ge [sflag:s22], $0x2000  }
0x2d: {  	[sflag:s22] =	ssyncset.done $0x0  }
0x2e: {  	[sflag:s22] =	ssyncadd.s32 $0xFFFFE000  }
0x2f: {  	_ =	swait.ge [sflag:s22], $0x2000  }
0x30: {  	[sflag:s22] =	ssyncset.done $0x0  }
0x31: {  	[sflag:s22] =	ssyncadd.s32 $0xFFFFE000  }
0x32: {  	[hbm4b:s8+s2] =	stream.linear.scatter [tilespmem:s12], [sflag:$0x3], $0x8000, $0x38;
	[tilespmem:$0x16400] =	vst v63  }
0x33: {  	_ =	swait.ge [sflag:s10], $0x8000  }
0x34: {  	[sflag:s10] =	ssyncset.done $0x0  }
0x35: {  	s1 =	simm.s32 $0x400;
	[sflag:s10] =	ssyncadd.s32 $0xFFFF8000  }
0x36: {  	[tilespmem:s12], [sflag:$0x1] =	stream.indirect.gather [hbm4b:s3+s11], $0x40, s1, s11, $0xb8;
	[tilespmem:$0x16400] =	vst v63  }
0x37: {  	s14 =	simm.s32 $0x480  }
0x38: {  	[tilespmem:s13], [sflag:$0x1] =	stream.indirect.gather [hbm4b:s3+s11], $0x40, s14, s11, $0xb8;
	[tilespmem:$0x16400] =	vst v63  }
0x39: {  	s16 =	simm.s32 $0x500  }
0x3a: {  	[tilespmem:s15], [sflag:$0x1] =	stream.indirect.gather [hbm4b:s3+s11], $0x40, s16, s11, $0xb8;
	[tilespmem:$0x16400] =	vst v63  }
0x3b: {  	s24 =	simm.s32 $0x580  }
0x3c: {  	[tilespmem:s17], [sflag:$0x1] =	stream.indirect.gather [hbm4b:s3+s11], $0x40, s24, s11, $0xb8;
	[tilespmem:$0x16400] =	vst v63  }
0x3d: {  	_ =	swait.ge [sflag:s23], $0x2000  }
0x3e: {  	[sflag:s23] =	ssyncset.done $0x0  }
0x3f: {  	[sflag:s23] =	ssyncadd.s32 $0xFFFFE000  }
0x40: {  	_ =	swait.ge [sflag:s23], $0x2000  }
0x41: {  	[sflag:s23] =	ssyncset.done $0x0  }
0x42: {  	[sflag:s23] =	ssyncadd.s32 $0xFFFFE000  }
0x43: {  	_ =	swait.ge [sflag:s23], $0x2000  }
0x44: {  	[sflag:s23] =	ssyncset.done $0x0  }
0x45: {  	[sflag:s23] =	ssyncadd.s32 $0xFFFFE000  }
0x46: {  	_ =	swait.ge [sflag:s23], $0x2000  }
0x47: {  	[sflag:s23] =	ssyncset.done $0x0  }
0x48: {  	[sflag:s23] =	ssyncadd.s32 $0xFFFFE000  }
0x49: {  	[hbm4b:s9+s2] =	stream.linear.scatter [tilespmem:s18], [sflag:$0x3], $0x8000, $0x38;
	[tilespmem:$0x16400] =	vst v63  }
0x4a: {  	s30 =	sadd.s32 $0x2000, s9;
	s31 =	sadd.s32 $0x2000, s8;
	_ =	swait.ge [sflag:s10], $0x8000  }
0x4b: {  	s0 =	simm.s32 $0x2000;
	s1 =	simm.s32 $0x400;
	[sflag:s10] =	ssyncset.done $0x0  }
.LBB2_2:
0x4c: {  	s24 =	sadd.s32 $0x200, s1  }
0x4d: {  	[sflag:s10] =	ssyncadd.s32 $0xFFFF8000;
	s14 =	smov.u32 s0;
	s16 =	sadd.s32 $0x1000, s0  }
0x4e: {  	[tilespmem:s18], [sflag:$0x2] =	stream.indirect.gather [hbm4b:s3+s11], $0x40, s24, s11, $0xb8;
	[tilespmem:$0x16400] =	vst v63  }
0x4f: {  	p0 =	sne.s32 s0, $0x17000;
	s0 =	sadd.s32 $0x280, s1  }
0x50: {  	[tilespmem:s19], [sflag:$0x2] =	stream.indirect.gather [hbm4b:s3+s11], $0x40, s0, s11, $0xb8;
	[tilespmem:$0x16400] =	vst v63  }
0x51: {  	s0 =	sadd.s32 $0x300, s1  }
0x52: {  	[tilespmem:s20], [sflag:$0x2] =	stream.indirect.gather [hbm4b:s3+s11], $0x40, s0, s11, $0xb8;
	[tilespmem:$0x16400] =	vst v63  }
0x53: {  	s0 =	sadd.s32 $0x380, s1  }
0x54: {  	[tilespmem:s21], [sflag:$0x2] =	stream.indirect.gather [hbm4b:s3+s11], $0x40, s0, s11, $0xb8;
	[tilespmem:$0x16400] =	vst v63  }
0x55: {  	_ =	swait.ge [sflag:s22], $0x2000  }
0x56: {  	[sflag:s22] =	ssyncset.done $0x0  }
0x57: {  	[sflag:s22] =	ssyncadd.s32 $0xFFFFE000  }
0x58: {  	_ =	swait.ge [sflag:s22], $0x2000  }
0x59: {  	[sflag:s22] =	ssyncset.done $0x0  }
0x5a: {  	[sflag:s22] =	ssyncadd.s32 $0xFFFFE000  }
0x5b: {  	_ =	swait.ge [sflag:s22], $0x2000  }
0x5c: {  	[sflag:s22] =	ssyncset.done $0x0  }
0x5d: {  	[sflag:s22] =	ssyncadd.s32 $0xFFFFE000  }
0x5e: {  	_ =	swait.ge [sflag:s22], $0x2000  }
0x5f: {  	[sflag:s22] =	ssyncset.done $0x0  }
0x60: {  	[sflag:s22] =	ssyncadd.s32 $0xFFFFE000  }
0x61: {  	[hbm4b:s31+s2] =	stream.linear.scatter [tilespmem:s12], [sflag:$0x3], $0x8000, $0x38;
	[tilespmem:$0x16400] =	vst v63  }
0x62: {  	_ =	swait.ge [sflag:s10], $0x8000  }
0x63: {  	[sflag:s10] =	ssyncset.done $0x0  }
0x64: {  	s0 =	sadd.s32 $0x400, s1;
	[sflag:s10] =	ssyncadd.s32 $0xFFFF8000  }
0x65: {  	[tilespmem:s12], [sflag:$0x1] =	stream.indirect.gather [hbm4b:s3+s11], $0x40, s0, s11, $0xb8;
	[tilespmem:$0x16400] =	vst v63  }
0x66: {  	s0 =	sadd.s32 $0x480, s1  }
0x67: {  	[tilespmem:s13], [sflag:$0x1] =	stream.indirect.gather [hbm4b:s3+s11], $0x40, s0, s11, $0xb8;
	[tilespmem:$0x16400] =	vst v63  }
0x68: {  	s0 =	sadd.s32 $0x500, s1  }
0x69: {  	[tilespmem:s15], [sflag:$0x1] =	stream.indirect.gather [hbm4b:s3+s11], $0x40, s0, s11, $0xb8;
	[tilespmem:$0x16400] =	vst v63  }
0x6a: {  	s0 =	sadd.s32 $0x580, s1  }
0x6b: {  	[tilespmem:s17], [sflag:$0x1] =	stream.indirect.gather [hbm4b:s3+s11], $0x40, s0, s11, $0xb8;
	[tilespmem:$0x16400] =	vst v63  }
0x6c: {  	_ =	swait.ge [sflag:s23], $0x2000  }
0x6d: {  	[sflag:s23] =	ssyncset.done $0x0  }
0x6e: {  	[sflag:s23] =	ssyncadd.s32 $0xFFFFE000  }
0x6f: {  	_ =	swait.ge [sflag:s23], $0x2000  }
0x70: {  	[sflag:s23] =	ssyncset.done $0x0  }
0x71: {  	[sflag:s23] =	ssyncadd.s32 $0xFFFFE000  }
0x72: {  	_ =	swait.ge [sflag:s23], $0x2000  }
0x73: {  	[sflag:s23] =	ssyncset.done $0x0  }
0x74: {  	[sflag:s23] =	ssyncadd.s32 $0xFFFFE000  }
0x75: {  	_ =	swait.ge [sflag:s23], $0x2000  }
.Ltmp0:
0x76: {  	[sflag:s23] =	ssyncset.done $0x0;
	(pc) =	sbr.rel @p0 .LBB2_2-.Ltmp0, $4  }
0x77: {  	[sflag:s23] =	ssyncadd.s32 $0xFFFFE000  }
0x78: {  	[hbm4b:s30+s2] =	stream.linear.scatter [tilespmem:s18], [sflag:$0x3], $0x8000, $0x38;
	[tilespmem:$0x16400] =	vst v63  }
0x79: {  	s31 =	sadd.s32 $0x2000, s31;
	s30 =	sadd.s32 $0x2000, s30;
	_ =	swait.ge [sflag:s10], $0x8000  }
0x7a: {  	s1 =	sshra.s32 s14, $0x2;
	s0 =	smov.u32 s16;
	[sflag:s10] =	ssyncset.done $0x0  }
0x7b: {  	s0 =	sadd.s32 $0x200, s1;
	[sflag:s10] =	ssyncadd.s32 $0xFFFF8000  }
0x7c: {  	[tilespmem:s18], [sflag:$0x2] =	stream.indirect.gather [hbm4b:s3+s11], $0x40, s0, s11, $0xb8;
	[tilespmem:$0x16400] =	vst v63  }
0x7d: {  	s14 =	sadd.s32 $0x280, s1  }
0x7e: {  	[tilespmem:s19], [sflag:$0x2] =	stream.indirect.gather [hbm4b:s3+s11], $0x40, s14, s11, $0xb8;
	[tilespmem:$0x16400] =	vst v63  }
0x7f: {  	s16 =	sadd.s32 $0x300, s1  }
0x80: {  	[tilespmem:s20], [sflag:$0x2] =	stream.indirect.gather [hbm4b:s3+s11], $0x40, s16, s11, $0xb8;
	[tilespmem:$0x16400] =	vst v63  }
0x81: {  	s24 =	sadd.s32 $0x380, s1  }
0x82: {  	[tilespmem:s21], [sflag:$0x2] =	stream.indirect.gather [hbm4b:s3+s11], $0x40, s24, s11, $0xb8;
	[tilespmem:$0x16400] =	vst v63  }
0x83: {  	_ =	swait.ge [sflag:s22], $0x2000  }
0x84: {  	[sflag:s22] =	ssyncset.done $0x0  }
0x85: {  	[sflag:s22] =	ssyncadd.s32 $0xFFFFE000  }
0x86: {  	_ =	swait.ge [sflag:s22], $0x2000  }
0x87: {  	[sflag:s22] =	ssyncset.done $0x0  }
0x88: {  	[sflag:s22] =	ssyncadd.s32 $0xFFFFE000  }
0x89: {  	_ =	swait.ge [sflag:s22], $0x2000  }
0x8a: {  	[sflag:s22] =	ssyncset.done $0x0  }
0x8b: {  	[sflag:s22] =	ssyncadd.s32 $0xFFFFE000  }
0x8c: {  	_ =	swait.ge [sflag:s22], $0x2000  }
0x8d: {  	[sflag:s22] =	ssyncset.done $0x0  }
0x8e: {  	[sflag:s22] =	ssyncadd.s32 $0xFFFFE000  }
0x8f: {  	[hbm4b:s31+s2] =	stream.linear.scatter [tilespmem:s12], [sflag:$0x3], $0x8000, $0x38;
	[tilespmem:$0x16400] =	vst v63  }
0x90: {  	_ =	swait.ge [sflag:s10], $0x8000  }
0x91: {  	[sflag:s10] =	ssyncset.done $0x0  }
0x92: {  	s31 =	sadd.s32 $0x400, s1;
	[sflag:s10] =	ssyncadd.s32 $0xFFFF8000  }
0x93: {  	[tilespmem:s12], [sflag:$0x1] =	stream.indirect.gather [hbm4b:s3+s11], $0x40, s31, s11, $0xb8;
	[tilespmem:$0x16400] =	vst v63  }
0x94: {  	s14 =	sadd.s32 $0x480, s1  }
0x95: {  	[tilespmem:s13], [sflag:$0x1] =	stream.indirect.gather [hbm4b:s3+s11], $0x40, s14, s11, $0xb8;
	[tilespmem:$0x16400] =	vst v63  }
0x96: {  	s16 =	sadd.s32 $0x500, s1  }
0x97: {  	[tilespmem:s15], [sflag:$0x1] =	stream.indirect.gather [hbm4b:s3+s11], $0x40, s16, s11, $0xb8;
	[tilespmem:$0x16400] =	vst v63  }
0x98: {  	s24 =	sadd.s32 $0x580, s1  }
0x99: {  	[tilespmem:s17], [sflag:$0x1] =	stream.indirect.gather [hbm4b:s3+s11], $0x40, s24, s11, $0xb8;
	[tilespmem:$0x16400] =	vst v63  }
0x9a: {  	_ =	swait.ge [sflag:s23], $0x2000  }
0x9b: {  	[sflag:s23] =	ssyncset.done $0x0  }
0x9c: {  	[sflag:s23] =	ssyncadd.s32 $0xFFFFE000  }
0x9d: {  	_ =	swait.ge [sflag:s23], $0x2000  }
0x9e: {  	[sflag:s23] =	ssyncset.done $0x0  }
0x9f: {  	[sflag:s23] =	ssyncadd.s32 $0xFFFFE000  }
0xa0: {  	_ =	swait.ge [sflag:s23], $0x2000  }
0xa1: {  	[sflag:s23] =	ssyncset.done $0x0  }
0xa2: {  	[sflag:s23] =	ssyncadd.s32 $0xFFFFE000  }
0xa3: {  	_ =	swait.ge [sflag:s23], $0x2000  }
0xa4: {  	[sflag:s23] =	ssyncset.done $0x0  }
0xa5: {  	[sflag:s23] =	ssyncadd.s32 $0xFFFFE000  }
0xa6: {  	[hbm4b:s30+s2] =	stream.linear.scatter [tilespmem:s18], [sflag:$0x3], $0x8000, $0x38;
	[tilespmem:$0x16400] =	vst v63  }
0xa7: {  	_ =	swait.ge [sflag:s10], $0x8000  }
0xa8: {  	[sflag:s10] =	ssyncset.done $0x0  }
0xa9: {  	s31 =	simm.s32 $0x6200;
	[sflag:s10] =	ssyncadd.s32 $0xFFFF8000  }
0xaa: {  	[tilespmem:s18], [sflag:$0x2] =	stream.indirect.gather [hbm4b:s3+s11], $0x40, s31, s11, $0xb8;
	[tilespmem:$0x16400] =	vst v63  }
0xab: {  	_ = 	snop  }
0xac: {  	[tilespmem:s19], [sflag:$0x2] =	stream.indirect.gather [hbm4b:s3+s11], $0x40, s25, s11, $0xb8;
	[tilespmem:$0x16400] =	vst v63  }
0xad: {  	_ = 	snop  }
0xae: {  	[tilespmem:s20], [sflag:$0x2] =	stream.indirect.gather [hbm4b:s3+s11], $0x40, s26, s11, $0xb8;
	[tilespmem:$0x16400] =	vst v63  }
0xaf: {  	_ = 	snop  }
0xb0: {  	[tilespmem:s21], [sflag:$0x2] =	stream.indirect.gather [hbm4b:s3+s11], $0x40, s28, s11, $0xb8;
	[tilespmem:$0x16400] =	vst v63  }
0xb1: {  	_ =	swait.ge [sflag:s22], $0x2000  }
0xb2: {  	[sflag:s22] =	ssyncset.done $0x0  }
0xb3: {  	[sflag:s22] =	ssyncadd.s32 $0xFFFFE000  }
0xb4: {  	_ =	swait.ge [sflag:s22], $0x2000  }
0xb5: {  	[sflag:s22] =	ssyncset.done $0x0  }
0xb6: {  	[sflag:s22] =	ssyncadd.s32 $0xFFFFE000  }
0xb7: {  	_ =	swait.ge [sflag:s22], $0x2000  }
0xb8: {  	[sflag:s22] =	ssyncset.done $0x0  }
0xb9: {  	[sflag:s22] =	ssyncadd.s32 $0xFFFFE000  }
0xba: {  	_ =	swait.ge [sflag:s22], $0x2000  }
0xbb: {  	[sflag:s22] =	ssyncset.done $0x0  }
0xbc: {  	[sflag:s22] =	ssyncadd.s32 $0xFFFFE000  }
0xbd: {  	[hbm4b:s6+s2] =	stream.linear.scatter [tilespmem:s12], [sflag:$0x3], $0x8000, $0x38;
	[tilespmem:$0x16400] =	vst v63  }
0xbe: {  	_ =	swait.ge [sflag:s10], $0x8000  }
0xbf: {  	[sflag:s10] =	ssyncset.done $0x0  }
0xc0: {  	[sflag:s10] =	ssyncadd.s32 $0xFFFF8000  }
0xc1: {  	_ =	swait.ge [sflag:s23], $0x2000  }
0xc2: {  	[sflag:s23] =	ssyncset.done $0x0  }
0xc3: {  	[sflag:s23] =	ssyncadd.s32 $0xFFFFE000  }
0xc4: {  	_ =	swait.ge [sflag:s23], $0x2000  }
0xc5: {  	[sflag:s23] =	ssyncset.done $0x0  }
0xc6: {  	[sflag:s23] =	ssyncadd.s32 $0xFFFFE000  }
0xc7: {  	_ =	swait.ge [sflag:s23], $0x2000  }
0xc8: {  	[sflag:s23] =	ssyncset.done $0x0  }
0xc9: {  	[sflag:s23] =	ssyncadd.s32 $0xFFFFE000  }
0xca: {  	s29 =	sadd.s32 $0x1, s29;
	_ =	swait.ge [sflag:s23], $0x2000  }
0xcb: {  	p0 =	sne.s32 s29, s5;
	[sflag:s23] =	ssyncset.done $0x0  }
.Ltmp1:
0xcc: {  	[sflag:s23] =	ssyncadd.s32 $0xFFFFE000;
	(pc) =	sbr.rel @p0 .LBB2_1-.Ltmp1, $4  }
0xcd: {  	[hbm4b:s7+s2] =	stream.linear.scatter [tilespmem:s18], [sflag:$0x3], $0x8000, $0x38;
	[tilespmem:$0x16400] =	vst v63  }
0xce: {  	_ =	swait.ge [sflag:s10], $0x8000  }
0xcf: {  	[sflag:s10] =	ssyncset.done $0x0  }
0xd0: {  	[sflag:s10] =	ssyncadd.s32 $0xFFFF8000  }
0xd1: {  	_ =	sfence.sel $0x180000  }
0xd2: {  	[bflag:$0x0] =	sbarrier.arrive $0xFFFF  }
0xd3: {  	_ =	strace $0x90000047  }
0xd4: {  	s0 =	stileid.u32;
	[bflag:$0x2] =	sbarrier.arrive $0xFFFF  }
0xd5: {  	p0 =	sne.s32 s0, $0x0;
	s0 =	rddreg [dreg:$0x2]  }
0xd6: {  	s0 =	sadd.s32 @!p0 $0x100000, s0  }
0xd7: {  	[sflag:s0] =	ssyncadd.tile.s32 @!p0 $0x1;
	_ =	shalt  }
.Lfunc_end2:
_tile_overlayer_lowered:
.L_overlay_start_2:
0xd8: {  	(tag) =	ssettag $0x2  }
0xd9: {  	s0 =	rddreg [dreg:$0x0];
	s2 =	stileid.u32  }
0xda: {  	s1 =	rddreg [dreg:$0x1];
	p0 =	sne.s32 s2, $0x0  }
0xdb: {  	s3 =	rddreg [dreg:$0x2];
	[bflag:$0x3] =	sbarrier.arrive $0xFFFF;
	s2 =	simm.s32 @!p0 $0x1C03  }
0xdc: {  	[timem:s3], [sflag:s2] =	dma.local @!p0 [hbm:s0], s1  }
0xdd: {  	s0 =	simm.s32 @!p0 $0x3  }
0xde: {  	_ =	swait.ge @!p0 [sflag:s0], s1  }
0xdf: {  	s1 =	ssub.s32 @!p0 $0x0, s1;
	[sflag:s0] =	ssyncset.done @!p0 $0x0  }
0xe0: {  	[sflag:s0] =	ssyncadd.s32 @!p0 s1  }
0xe1: {  	[bflag:$0x3] =	sbarrier.arrive $0xFFFF  }
0xe2: {  	_ =	shalt  }

// kernel: sparse-core-data-format-call.cloned.1.call-start
scs
called_computation_lowered:
.L_overlay_start_0:
0x0: {  	s2 =	sld [smem:$0x3FD9]  }
0x1: {  	s3 =	sld [smem:$0x3FFE];
	_ =	sdelay $0x1  }
0x2: {  	s1 =	srdreg.scid  }
0x3: {  	s0 =	sand.u32 $0x1, s1  }
0x4: {  	s18 =	sshll.u32 s0, $0xA;
	s2 =	sadd.s32 s3, s2  }
0x5: {  	s2 =	sadd.s32 s2, s18  }
0x6: {  	[smem:$0x3FC6] =	sst s2  }
0x7: {  	_ = 	snop  }
0x8: {  	s2 =	sld [smem:$0x3FD0];
	(tm) =	ssettm $0x1  }
0x9: {  	s19 =	sld [smem:$0x3FFB];
	_ =	sdelay $0x3  }
0xa: {  	_ =	strace s19  }
0xb: {  	s3 =	sld [smem:$0x3FFC];
	_ =	sdelay $0x3  }
0xc: {  	_ =	strace s3  }
0xd: {  	s3 =	sld [smem:$0x3FFD];
	_ =	sdelay $0x3  }
0xe: {  	_ =	strace s3  }
0xf: {  	_ =	strace $0x8FFFFFFF  }
0x10: {  	s20 =	sld [smem:$0x3FDB];
	_ =	sdelay $0x1  }
0x11: {  	s4 =	simm.s32 $_scs_section_size  }
0x12: {  	s5 =	simm.s32 $_size__tile_overlayer_lowered;
	s6 =	simm.s32 $_tile_overlayer_lowered  }
0x13: {  	s23 =	simm.s32 $0x1BFF;
	s22 =	sshll.u32 s6, $0x1;
	s3 =	sadd.s32 s4, s20  }
0x14: {  	s7 =	simm.s32 $0x0;
	s21 =	sshll.u32 s5, $0x1;
	s5 =	sadd.s32 s22, s3  }
0x15: {  	[timem:s7], [sflag:s23] =	dma.local [hbm:s5], s21  }
0x16: {  	_ =	swait.ge [sflag:s23], s21  }
0x17: {  	s4 =	ssub.s32 $0x0, s21;
	[sflag:s23] =	ssyncset.done $0x0  }
0x18: {  	[sflag:s23] =	ssyncadd.s32 s4;
	_ =	sdelay $0x1  }
0x19: {  	s24 =	simm.s32 $0x1B8B  }
0x1a: {  	_ =	swait.ge [sflag:s24], $0x1  }
0x1b: {  	[sflag:s24] =	ssyncset.done $0x0  }
0x1c: {  	s26 =	simm.s32 $0x1B8E;
	s25 =	sld [smem:$0x3FFE];
	[sflag:s24] =	ssyncadd.s32 $0xFFFFFFFF  }
0x1d: {  	s27 =	simm.s32 $execute0_lowered;
	[smem:$0x3FD2] =	sst s26  }
0x1e: {  	s5 =	sshll.u32 s27, $0x1;
	_ =	strace $0x80000049;
	[dreg:$0x1] =	wrdreg $0xFFFFFFFF  }
0x1f: {  	s28 =	simm.s32 $_size_execute0_lowered;
	s3 =	sadd.s32 s3, s5;
	[dreg:$0x0] =	wrdreg $0x0  }
0x20: {  	s5 =	sshll.u32 s28, $0x1;
	[dreg:$0x2] =	wrdreg s3  }
0x21: {  	[dreg:$0x3] =	wrdreg s5  }
0x22: {  	[dreg:$0x4] =	wrdreg $0xC0  }
0x23: {  	_ =	task [dreg:s7], $0x5FFFF  }
0x24: {  	[dreg:$0x1] =	wrdreg $0xFFFFFFFF  }
0x25: {  	[dreg:$0x0] =	wrdreg $0x60  }
0x26: {  	[dreg:$0x2] =	wrdreg s25  }
0x27: {  	[dreg:$0x3] =	wrdreg s2  }
0x28: {  	[dreg:$0x4] =	wrdreg $0x9  }
0x29: {  	_ =	task.clear_ibuf [dreg:s7], $0x5FFFF;
	_ =	strace $0x90000049  }
0x2a: {  	s29 =	simm.s32 $0x9;
	_ =	strace $0x8000004B  }
0x2b: {  	_ =	swait.ge [sflag:s29], $0x1  }
0x2c: {  	[sflag:s29] =	ssyncadd.s32 $0xFFFFFFFF  }
0x2d: {  	_ =	strace $0x9000004B  }
0x2e: {  	_ =	sfence  }
0x2f: {  	s30 =	sld [smem:$0x0];
	_ =	sdelay $0x2  }
0x30: {  	s31 =	sshll.u32 s1, $0xD;
	s1 =	sshrl.u32 s1, $0x2  }
0x31: {  	s3 =	sand.u32 $0x4000, s31;
	s1 =	sadd.s32 s1, s30  }
0x32: {  	s0 =	sor.u32 s3, s0;
	s1 =	sshll.u32 s1, $0x11  }
0x33: {  	s0 =	sor.u32 s1, s0  }
0x34: {  	s0 =	sadd.s32 $0x8F2B, s0  }
0x35: {  	[sflag:s0] =	ssyncadd.remote.s32 $0x1  }
0x36: {  	_ =	sfence.sel $0xFFFF  }
0x37: {  	[dreg:$0x0] =	wrdreg $0xFFFFFFFF;
	(pc) =	sbr.abs _section_cstart, $3  }
0x38: {  	[dreg:$0x1] =	wrdreg $0xFFFFFFFF  }
0x39: {  	_ =	task.clear_ibuf [dreg:s7], $0x2FFFF;
	_ =	strace $0x9FFFFFFF  }
0x3a: {  	(tm) =	ssettm $0x7FFFFFFF  }
0x3b: {  	_ =	shalt  }
tec
execute0_lowered:
.L_overlay_start_1:
0x0: {  	(tag) =	ssettag $0x1  }
0x1: {  	s0 =	srdreg.scid  }
0x2: {  	s1 =	sshll.u32 s0, $0x4  }
0x3: {  	s5 =	rddreg [dreg:$0x0];
	s0 =	stileid.u32;
	s1 =	sand.u32 $0x10, s1  }
0x4: {  	s3 =	rddreg [dreg:$0x1];
	s31 =	simm.s32 $0x2;
	s4 =	sor.u32 s0, s1  }
0x5: {  	s13 =	simm.s32 $0x0;
	s9 =	simm.s32 $0x400;
	s2 =	sshll.u32 s4, $0x7  }
0x6: {  	s10 =	simm.s32 $0x8000;
	s14 =	simm.s32 $0x0;
	s6 =	ssub.s32 $0x1000, s2  }
0x7: {  	s1 =	rddreg [dreg:$0x2];
	_ =	strace $0x8000004A;
	s7 =	sand.u32 $0xF80, s6  }
0x8: {  	s4 =	sshll.u32 s4, $0xB;
	p0 =	sne.s32 s7, $0x0;
	s7 =	simm.s32 $0x1  }
.Ltmp0:
0x9: {  	s6 =	sshrl.u32 s6, $0xC;
	s7 =	simm.s32 @!p0 $0x0;
	(pc) =	sbr.rel .LBB1_1-.Ltmp0, $4  }
0xa: {  	s8 =	sadd.s32 s4, s5;
	s4 =	simm.s32 $0x1;
	s30 =	sadd.s32 s7, s6  }
0xb: {  	s11 =	simm.s32 $0x0;
	[sflag:s4] =	ssyncpa.u1 $0x0;
	s5 =	smul.u32 $0x64, s30  }
0xc: {  	s12 =	simm.s32 $0x0;
	[sflag:s31] =	ssyncpa.u1 $0x0;
	p0 =	por $0x0, $0x0  }
0xd: {  	s6 =	sadd.s32 $0xA00, s8;
	s7 =	sadd.s32 $0x10A00, s8;
	s8 =	sor.u32 $0x1, s5  }
.LBB1_7:
0xe: {  	s15 =	sadd.s32 $0x2, s11  }
0xf: {  	p2 =	sgt.s32 s15, $0xC7  }
0x10: {  	s15 =	simm.s32 @p2 $0x0;
	p2 =	sne.s32 s12, s8  }
.Ltmp1:
0x11: {  	p1 =	slt.u32 s12, $0x2;
	(pc) =	sbr.rel @!p2 .LBB1_8-.Ltmp1, $4  }
0x12: {  	s13 =	simm.s32 @!p1 $0x2  }
0x13: {  	s16 =	sadd.s32 $0x1, s12;
	s14 =	smov.u32 s11;
	_ =	swait.ge @!p1 [sflag:s13], $0x4000  }
0x14: {  	p0 =	por !p0, !p0;
	s12 =	smov.u32 s16;
	[sflag:s13] =	ssyncset.done @!p1 $0x0  }
0x15: {  	s11 =	smov.u32 s15;
	[sflag:s13] =	ssyncadd.s32 @!p1 $0xFFFFC000;
	s13 =	smov.u32 s2  }
.LBB1_1:
0x16: {  	p1 =	sge.u32 s12, s5  }
0x17: {  	s15 =	sxor.u32 @!p1 $0xFFFFFFFF, s12  }
0x18: {  	s16 =	sshll.u32 @!p1 s11, $0x10;
	s18 =	simm.s32 @!p1 $0x40;
	s15 =	sshll.u32 @!p1 s15, $0xE  }
0x19: {  	s19 =	simm.s32 @!p1 $0x80;
	s17 =	sadd.s32 @!p1 s16, s6;
	s15 =	sand.u32 @!p1 $0x4000, s15  }
0x1a: {  	[tilespmem:s15], [sflag:$0x1] =	stream.strided.gather @!p1 [hbm4b:s17+s18], $0x2000, s19, s18, $0x38;
	[tilespmem:$0x10100] =	vst v63  }
0x1b: {  	s31 =	sadd.s32 $0xFFFFFFFF, s12;
	s16 =	sadd.s32 @!p1 s16, s7;
	s15 =	sor.u32 @!p1 $0x2000, s15  }
0x1c: {  	[tilespmem:s15], [sflag:$0x1] =	stream.strided.gather @!p1 [hbm4b:s16+s18], $0x2000, s19, s18, $0x38;
	[tilespmem:$0x10100] =	vst v63  }
0x1d: {  	p1 =	sge.u32 s31, s5  }
.Ltmp2:
0x1e: {  	_ = 	snop;
	(pc) =	sbr.rel @p1 .LBB1_7-.Ltmp2, $1  }
0x1f: {  	_ =	sdelay $0x3  }
0x20: {  	s15 =	simm.s32 $0x1;
	s17 =	sand.u32 $0x1, s12  }
0x21: {  	_ =	swait.ge [sflag:s4], $0x4000;
	s15 =	simm.s32 @!p0 $0x0;
	s17 =	smul.u32 $0x10200, s17  }
0x22: {  	p2 =	por $0x1, $0x1;
	[sflag:s4] =	ssyncset.done $0x0;
	s16 =	smul.u32 $0x10200, s15  }
0x23: {  	s18 =	sshll.u32 s15, $0x10;
	[sflag:s4] =	ssyncadd.s32 $0xFFFFC000;
	s30 =	sshrl.u32 s17, $0x2  }
0x24: {  	s31 =	sshrl.u32 s18, $0x2;
	s18 =	simm.s32 $0x0;
	s16 =	sshrl.u32 s16, $0x2  }
0x25: {  	s15 =	sor.u32 $0x8000, s30;
	s17 =	sadd.s32 $0x20, s31;
	s16 =	sor.u32 $0x8000, s16  }
.LBB1_3:
0x26: {  	s19 =	sshll.u32 s18, $0xD  }
0x27: {  	s19 =	sand.u32 $0x3FFFE000, s19  }
0x28: {  	s21 =	sadd.s32 s19, s17  }
0x29: {  	s31 =	smul.u32 $0x8100, s18;
	v3 =	vld [tilespmem:s21+$0x10]  }
0x2a: {  	v1 =	vld [tilespmem:s21+$0xFFFFFFF0]  }
0x2b: {  	s18 =	sshra.s32 s31, $0x2;
	v0 =	vld [tilespmem:s21+$0x0]  }
0x2c: {  	s18 =	sadd.s32 s18, s16;
	v2 =	vld [tilespmem:s21+$0xFFFFFFE0]  }
0x2d: {  	s19 =	sadd.s32 $0x0, s18  }
0x2e: {  	p1 =	por p2, p2;
	s20 =	simm.s32 $0x4;
	s21 =	sadd.s32 $0x40, s21;
	[tilespmem:s19+$0x1830 ss:$0x81] =	vst.msk $0xffff, v3  }
.LBB1_4:
0x2f: {  	v3 =	vld [tilespmem:s21+$0x10];
	p2 =	sne.s32 s20, $0x1FC;
	[tilespmem:s19+$0x810 ss:$0x81] =	vst.msk $0xffff, v1;
	s22 =	smov.u32 s20;
	s20 =	sadd.s32 $0x4, s20  }
.Ltmp3:
0x30: {  	v1 =	vld [tilespmem:s21+$0xFFFFFFF0];
	[tilespmem:s19+$0x1020 ss:$0x81] =	vst.msk $0xffff, v0;
	(pc) =	sbr.rel @p2 .LBB1_4-.Ltmp3, $4  }
0x31: {  	v0 =	vld [tilespmem:s21+$0x0];
	[tilespmem:s19+$0x0 ss:$0x81] =	vst.msk $0xffff, v2  }
0x32: {  	s19 =	sshra.s32 s22, $0x2;
	v2 =	vld [tilespmem:s21+$0xFFFFFFE0]  }
0x33: {  	s19 =	sadd.s32 s19, s18  }
0x34: {  	s21 =	sadd.s32 $0x40, s21;
	[tilespmem:s19+$0x1830 ss:$0x81] =	vst.msk $0xffff, v3  }
.Ltmp4:
0x35: {  	(pc) =	sbr.rel @p1 .LBB1_3-.Ltmp4, $4  }
0x36: {  	_ = 	snop  }
0x37: {  	[tilespmem:s19+$0x810 ss:$0x81] =	vst.msk $0xffff, v1  }
0x38: {  	[tilespmem:s19+$0x1020 ss:$0x81] =	vst.msk $0xffff, v0  }
0x39: {  	s18 =	simm.s32 $0x1;
	p2 =	por $0x0, $0x0;
	[tilespmem:s19+$0x0 ss:$0x81] =	vst.msk $0xffff, v2  }
.Ltmp5:
0x3a: {  	(pc) =	sbr.rel .LBB1_7-.Ltmp5, $4  }
0x3b: {  	s14 =	sshll.u32 s14, $0xF  }
0x3c: {  	s14 =	sadd.s32 s3, s14  }
0x3d: {  	s13 =	sadd.s32 s13, s14  }
0x3e: {  	[hbm4b:s13+s9] =	stream.strided.scatter [tilespmem:s15], [sflag:$0x2], $0x4000, s10, s9, $0x20;
	[tilespmem:$0x10100] =	vst v63  }
.LBB1_8:
0x3f: {  	_ =	sfence.sel $0x180000  }
0x40: {  	s2 =	simm.s32 $0x1;
	[bflag:$0x0] =	sbarrier.arrive $0xFFFF  }
0x41: {  	s31 =	simm.s32 $0x2;
	[sflag:s2] =	ssyncpa.u1 $0x1  }
0x42: {  	[sflag:s31] =	ssyncpa.u1 $0x1  }
0x43: {  	p0 =	sne.s32 s0, $0x0;
	_ =	strace $0x9000004A  }
0x44: {  	s0 =	sadd.s32 @!p0 $0x100000, s1;
	[bflag:$0x2] =	sbarrier.arrive $0xFFFF  }
0x45: {  	[sflag:s0] =	ssyncadd.tile.s32 @!p0 $0x1;
	_ =	shalt  }
.Lfunc_end1:
_tile_overlayer_lowered:
.L_overlay_start_2:
0x46: {  	(tag) =	ssettag $0x2  }
0x47: {  	s0 =	rddreg [dreg:$0x0];
	s2 =	stileid.u32  }
0x48: {  	s1 =	rddreg [dreg:$0x1];
	p0 =	sne.s32 s2, $0x0  }
0x49: {  	s3 =	rddreg [dreg:$0x2];
	[bflag:$0x3] =	sbarrier.arrive $0xFFFF;
	s2 =	simm.s32 @!p0 $0x1C01  }
0x4a: {  	[timem:s3], [sflag:s2] =	dma.local @!p0 [hbm:s0], s1  }
0x4b: {  	s0 =	simm.s32 @!p0 $0x1  }
0x4c: {  	_ =	swait.ge @!p0 [sflag:s0], s1  }
0x4d: {  	s1 =	ssub.s32 @!p0 $0x0, s1;
	[sflag:s0] =	ssyncset.done @!p0 $0x0  }
0x4e: {  	[sflag:s0] =	ssyncadd.s32 @!p0 s1  }
0x4f: {  	[bflag:$0x3] =	sbarrier.arrive $0xFFFF  }
0x50: {  	_ =	shalt  }

</sc_bundles>
